<compile_context>
chip_gen: v7x
topology: tpu7x:2x2x1
jax: 0.10.2.dev20260603
libtpu: 0.0.44.dev20260713+nightly
codegen_flags: <defaults>
</compile_context>

<pallas_src>
import functools

import jax
import jax.numpy as jnp
from jax import lax
from jax.experimental import pallas as pl
from jax.experimental.pallas import tpu as pltpu
from jax.experimental.pallas import tpu_sc as plsc

_N = 10000
_E = 320000
_D = 128
_DH = _D // 2
_DA = _DH + 8

_NC = 2
_NS = 16

_CHUNK = 128
_CHUNKS_PER_T = 160
_WIN = 20
_ECHUNKS = _E // _CHUNK
_N_PAD = 10112
_ROWS_PER_TILE = _N_PAD // _NS
_ACC_ROWS = _N
_LAST_ROWS = _ACC_ROWS - 15 * _ROWS_PER_TILE
_FULL_CHUNKS = _CHUNKS_PER_T
_LAST_CHUNKS = _ECHUNKS - 15 * _CHUNKS_PER_T


def _sc_aggregate_body(y0_hbm, y1_hbm, ei_hbm, acc_out,
                       srcw_v, dstw_v, rows_v0, rows_v1,
                       stage_acc, acc_sh, gsem0, gsem1, wsem):
    c = lax.axis_index("c")
    s = lax.axis_index("s")
    base = s * _ROWS_PER_TILE
    cbase = s * _CHUNKS_PER_T

    z16 = jnp.zeros((16,), jnp.float32)

    def _zrow(i, carry):
        for k in range(_DA // 16):
            stage_acc[i, pl.ds(k * 16, 16)] = z16
        if _DA % 16:
            stage_acc[i, pl.ds(_DA - 16, 16)] = z16
        return carry

    lax.fori_loop(0, _ROWS_PER_TILE, _zrow, 0)

    @pl.when(s < 15)
    def _():
        pltpu.sync_copy(stage_acc, acc_sh.at[pl.ds(base, _ROWS_PER_TILE)])

    @pl.when(s == 15)
    def _():
        pltpu.sync_copy(stage_acc.at[pl.ds(0, _LAST_ROWS)],
                        acc_sh.at[pl.ds(15 * _ROWS_PER_TILE, _LAST_ROWS)])

    plsc.subcore_barrier()

    def _run(y_hbm):
        rows = (rows_v0, rows_v1)
        sems = (gsem0, gsem1)

        def _stage(w, q):
            pltpu.async_copy(ei_hbm.at[0, pl.ds(cbase + w * _WIN, _WIN)],
                             srcw_v.at[pl.ds(q * _WIN, _WIN)], wsem)
            pltpu.async_copy(ei_hbm.at[1, pl.ds(cbase + w * _WIN, _WIN)],
                             dstw_v.at[pl.ds(q * _WIN, _WIN)], wsem)

        def _drain_stage():
            pltpu.make_async_copy(ei_hbm.at[0, pl.ds(0, _WIN)],
                                  srcw_v.at[pl.ds(0, _WIN)], wsem).wait()
            pltpu.make_async_copy(ei_hbm.at[1, pl.ds(0, _WIN)],
                                  dstw_v.at[pl.ds(0, _WIN)], wsem).wait()

        def _start(r, b):
            pltpu.async_copy(y_hbm.at[srcw_v.at[r]], rows[b], sems[b])

        def _scatter(r, b):
            pltpu.make_async_copy(y_hbm.at[srcw_v.at[0]], rows[b],
                                  sems[b]).wait()
            pltpu.sync_copy(rows[b], acc_sh.at[dstw_v.at[r]], add=True)

        nwin = jnp.where(s == 15, _LAST_CHUNKS // _WIN, _FULL_CHUNKS // _WIN)
        _stage(0, 0)
        _drain_stage()

        def win(w, carry):
            q = lax.rem(w, 2)
            rbase = q * _WIN

            @pl.when(w + 1 < nwin)
            def _():
                _stage(w + 1, 1 - q)

            _start(rbase, 0)

            def pair(p, carry2):
                r0 = rbase + 2 * p
                _start(r0 + 1, 1)
                _scatter(r0, 0)

                @pl.when(p + 1 < _WIN // 2)
                def _():
                    _start(r0 + 2, 0)

                _scatter(r0 + 1, 1)
                return carry2

            lax.fori_loop(0, _WIN // 2, pair, 0)

            @pl.when(w + 1 < nwin)
            def _():
                _drain_stage()

            return carry

        lax.fori_loop(0, nwin, win, 0)

    @pl.when(c == 0)
    def _():
        _run(y0_hbm)

    @pl.when(c == 1)
    def _():
        _run(y1_hbm)

    plsc.subcore_barrier()

    @pl.when(s < 15)
    def _():
        pltpu.sync_copy(acc_sh.at[pl.ds(base, _ROWS_PER_TILE)], stage_acc)
        pltpu.sync_copy(stage_acc, acc_out.at[c, pl.ds(base, _ROWS_PER_TILE)])

    @pl.when(s == 15)
    def _():
        pltpu.sync_copy(acc_sh.at[pl.ds(15 * _ROWS_PER_TILE, _LAST_ROWS)],
                        stage_acc.at[pl.ds(0, _LAST_ROWS)])
        pltpu.sync_copy(stage_acc.at[pl.ds(0, _LAST_ROWS)],
                        acc_out.at[c, pl.ds(15 * _ROWS_PER_TILE, _LAST_ROWS)])


_sc_aggregate = functools.partial(
    pl.kernel,
    out_type=jax.ShapeDtypeStruct((_NC, _ACC_ROWS, _DA), jnp.float32),
    mesh=plsc.VectorSubcoreMesh(core_axis_name="c", subcore_axis_name="s"),
    compiler_params=pltpu.CompilerParams(use_tc_tiling_on_sc=False),
    scratch_types=[
        pltpu.VMEM((2 * _WIN, _CHUNK), jnp.int32),
        pltpu.VMEM((2 * _WIN, _CHUNK), jnp.int32),
        pltpu.VMEM((_CHUNK, _DA), jnp.float32),
        pltpu.VMEM((_CHUNK, _DA), jnp.float32),
        pltpu.VMEM((_ROWS_PER_TILE, _DA), jnp.float32),
        pltpu.VMEM_SHARED((_ACC_ROWS, _DA), jnp.float32),
        pltpu.SemaphoreType.DMA,
        pltpu.SemaphoreType.DMA,
        pltpu.SemaphoreType.DMA,
    ],
)(_sc_aggregate_body)


def _neigh_mm_body(x_ref, w_ref, y0_ref, y1_ref):
    y = jnp.dot(x_ref[...], w_ref[...], preferred_element_type=jnp.float32)
    ones = jnp.ones((_N, _DA - _DH), jnp.float32)
    y0_ref[...] = jnp.concatenate([y[:, :_DH], ones], axis=1)
    y1_ref[...] = jnp.concatenate([y[:, _DH:], ones], axis=1)


def _neigh_mm(x, w_neigh_t):
    return pl.pallas_call(
        _neigh_mm_body,
        out_shape=[jax.ShapeDtypeStruct((_N, _DA), jnp.float32),
                   jax.ShapeDtypeStruct((_N, _DA), jnp.float32)],
    )(x, w_neigh_t)


def _combine_body(x_ref, w_ref, b_ref, acc_ref, out_ref):
    a0 = acc_ref[0]
    a1 = acc_ref[1]
    deg = a0[:, _DH:_DH + 1]
    r = 1.0 / jnp.maximum(deg, 1.0)
    h = jnp.concatenate([a0[:, :_DH], a1[:, :_DH]], axis=1) * r
    out_ref[...] = (
        jnp.dot(x_ref[...], w_ref[...], preferred_element_type=jnp.float32)
        + h + b_ref[...]
    )


def _combine(x, w_self_t, b2d, acc):
    return pl.pallas_call(
        _combine_body,
        out_shape=jax.ShapeDtypeStruct((_N, _D), jnp.float32),
    )(x, w_self_t, b2d, acc)


def kernel(x, edge_index, W_self, W_neigh, b):
    ei = edge_index.reshape(2, _ECHUNKS, _CHUNK)
    y0, y1 = _neigh_mm(x, W_neigh.T)
    acc = _sc_aggregate(y0, y1, ei)
    return _combine(x, W_self.T, b.reshape(1, _D), acc)

# --- scband reference (transcript-rebuilt; emitter-appended) ---
"""Pipeline reference for scband-sage-64226940944915 (READ-ONLY COPY).

The authoritative reference and input builder live on the scoring server;
editing this copy changes nothing except your own understanding.
"""

import jax, jax.numpy as jnp
import numpy as np

N = 10000
E = 320000
D = 128

def setup_inputs(seed: int = 0) -> dict:
    key = jax.random.key(seed)
    k1, k2, k3, k4, k5 = jax.random.split(key, 5)
    x = jax.random.normal(k1, (N, D), dtype=jnp.float32)
    edge_index = jax.random.randint(k2, (2, E), 0, N, dtype=jnp.int32)
    # DGL SAGEConv(mean): fc_self and fc_neigh are Linear(in, out, bias=False), plus a shared bias vector
    scale = 1.0 / np.sqrt(D)
    W_self = jax.random.uniform(k3, (D, D), dtype=jnp.float32, minval=-scale, maxval=scale)
    W_neigh = jax.random.uniform(k4, (D, D), dtype=jnp.float32, minval=-scale, maxval=scale)
    b = jnp.zeros((D,), dtype=jnp.float32)
    return {"x": x, "edge_index": edge_index, "W_self": W_self, "W_neigh": W_neigh, "b": b}

def reference(x, edge_index, W_self, W_neigh, b):
    # dropout p=0.0 is identity; single SAGEConv layer, no activation after last layer
    src = edge_index[0]
    dst = edge_index[1]
    msg = jnp.take(x, src, axis=0)                       # gather source features [E, D]
    summed = jax.ops.segment_sum(msg, dst, num_segments=N)
    deg = jax.ops.segment_sum(jnp.ones((E,), dtype=jnp.float32), dst, num_segments=N)
    h_neigh = summed / jnp.clip(deg, 1.0, None)[:, None]  # mean aggregation, clamp(deg,1)
    out = x @ W_self.T + h_neigh @ W_neigh.T + b
    return out

if __name__ == "__main__":
    import jax
    _d = setup_inputs()
    print(jax.jit(kernel)(*tuple(_d.values())))

</pallas_src>

<mosaic_0001>
#map = affine_map<(d0, d1) -> (0, 0)>
#map1 = affine_map<(d0, d1) -> (0, 0, 0)>
module attributes {stable_mosaic.version = 14 : i64} {
  func.func @_sc_aggregate_body(%arg0: i32, %arg1: i32, %arg2: memref<10000x72xf32, #tpu.memory_space<hbm>>, %arg3: memref<10000x72xf32, #tpu.memory_space<hbm>>, %arg4: memref<2x2500x128xi32, #tpu.memory_space<hbm>>, %arg5: memref<2x10000x72xf32, #tpu.memory_space<hbm>>, %arg6: memref<40x128xi32, #tpu.memory_space<vmem>>, %arg7: memref<40x128xi32, #tpu.memory_space<vmem>>, %arg8: memref<128x72xf32, #tpu.memory_space<vmem>>, %arg9: memref<128x72xf32, #tpu.memory_space<vmem>>, %arg10: memref<632x72xf32, #tpu.memory_space<vmem>>, %arg11: memref<10000x72xf32, #tpu.memory_space<vmem_shared>>, %arg12: memref<!tpu.dma_semaphore, #tpu.memory_space<semaphore_mem>>, %arg13: memref<!tpu.dma_semaphore, #tpu.memory_space<semaphore_mem>>, %arg14: memref<!tpu.dma_semaphore, #tpu.memory_space<semaphore_mem>>) attributes {dimension_semantics = [#tpu.dimension_semantics<core_parallel>, #tpu.dimension_semantics<subcore_parallel>], iteration_bounds = array<i64: 2, 16>, scalar_prefetch = 0 : i64, scratch_operands = 9 : i64, tpu.core_type = #tpu.core_type<sc_vector_subcore>, window_params = [{transform_indices = #map}, {transform_indices = #map}, {transform_indices = #map1}, {transform_indices = #map1}]} {
    %mul3A = arith.constant 632 : i32
    %mul3A_0 = arith.muli %arg1, %mul3A : i32
    %mul3A_1 = arith.constant 160 : i32
    %mul3A_2 = arith.muli %arg1, %mul3A_1 : i32
    %broadcast_in_dim3A = arith.constant 0.000000e+00 : f32
    %broadcast_in_dim3A_3 = vector.broadcast %broadcast_in_dim3A : f32 to vector<16xf32>
    %scan3A = arith.constant 0 : i32
    %scan3A_4 = arith.constant 0 : i32
    %scan3A_5 = arith.constant 632 : i32
    %scan3A_6 = arith.addi %scan3A_4, %scan3A_5 : i32
    %scan3A_7 = arith.constant 1 : i32
    scf.for %scan3A_36 = %scan3A_4 to %scan3A_6 step %scan3A_7  : i32 {
      %swap3A = arith.index_cast %scan3A_36 : i32 to index
      %swap3A_37 = arith.constant 0 : index
      %swap3A_38 = tpu.vector_load %arg10[%swap3A, %swap3A_37] {strides = array<i32>} : memref<632x72xf32, #tpu.memory_space<vmem>>, vector<1x16xf32>,
      %swap3A_39 = vector.shape_cast %swap3A_38 : vector<1x16xf32> to vector<16xf32>
      %swap3A_40 = vector.shape_cast %broadcast_in_dim3A_3 : vector<16xf32> to vector<1x16xf32>
      tpu.vector_store %arg10[%swap3A, %swap3A_37], %swap3A_40 {strides = array<i32>} : memref<632x72xf32, #tpu.memory_space<vmem>>, vector<1x16xf32>,
      %swap3A_41 = arith.index_cast %scan3A_36 : i32 to index
      %swap3A_42 = arith.constant 16 : index
      %swap3A_43 = tpu.vector_load %arg10[%swap3A_41, %swap3A_42] {strides = array<i32>} : memref<632x72xf32, #tpu.memory_space<vmem>>, vector<1x16xf32>,
      %swap3A_44 = vector.shape_cast %swap3A_43 : vector<1x16xf32> to vector<16xf32>
      %swap3A_45 = vector.shape_cast %broadcast_in_dim3A_3 : vector<16xf32> to vector<1x16xf32>
      tpu.vector_store %arg10[%swap3A_41, %swap3A_42], %swap3A_45 {strides = array<i32>} : memref<632x72xf32, #tpu.memory_space<vmem>>, vector<1x16xf32>,
      %swap3A_46 = arith.index_cast %scan3A_36 : i32 to index
      %swap3A_47 = arith.constant 32 : index
      %swap3A_48 = tpu.vector_load %arg10[%swap3A_46, %swap3A_47] {strides = array<i32>} : memref<632x72xf32, #tpu.memory_space<vmem>>, vector<1x16xf32>,
      %swap3A_49 = vector.shape_cast %swap3A_48 : vector<1x16xf32> to vector<16xf32>
      %swap3A_50 = vector.shape_cast %broadcast_in_dim3A_3 : vector<16xf32> to vector<1x16xf32>
      tpu.vector_store %arg10[%swap3A_46, %swap3A_47], %swap3A_50 {strides = array<i32>} : memref<632x72xf32, #tpu.memory_space<vmem>>, vector<1x16xf32>,
      %swap3A_51 = arith.index_cast %scan3A_36 : i32 to index
      %swap3A_52 = arith.constant 48 : index
      %swap3A_53 = tpu.vector_load %arg10[%swap3A_51, %swap3A_52] {strides = array<i32>} : memref<632x72xf32, #tpu.memory_space<vmem>>, vector<1x16xf32>,
      %swap3A_54 = vector.shape_cast %swap3A_53 : vector<1x16xf32> to vector<16xf32>
      %swap3A_55 = vector.shape_cast %broadcast_in_dim3A_3 : vector<16xf32> to vector<1x16xf32>
      tpu.vector_store %arg10[%swap3A_51, %swap3A_52], %swap3A_55 {strides = array<i32>} : memref<632x72xf32, #tpu.memory_space<vmem>>, vector<1x16xf32>,
      %swap3A_56 = arith.index_cast %scan3A_36 : i32 to index
      %swap3A_57 = arith.constant 56 : index
      %swap3A_58 = tpu.vector_load %arg10[%swap3A_56, %swap3A_57] {strides = array<i32>} : memref<632x72xf32, #tpu.memory_space<vmem>>, vector<1x16xf32>,
      %swap3A_59 = vector.shape_cast %swap3A_58 : vector<1x16xf32> to vector<16xf32>
      %swap3A_60 = vector.shape_cast %broadcast_in_dim3A_3 : vector<16xf32> to vector<1x16xf32>
      tpu.vector_store %arg10[%swap3A_56, %swap3A_57], %swap3A_60 {strides = array<i32>} : memref<632x72xf32, #tpu.memory_space<vmem>>, vector<1x16xf32>,
    }
    %scan3A_8 = arith.constant 632 : i32
    %lt3A = arith.constant 15 : i32
    %lt3A_9 = arith.cmpi slt, %arg1, %lt3A : i32
    %convert_element_type3A = arith.extui %lt3A_9 : i1 to i32
    %cond3A = arith.constant 0 : i32
    %cond3A_10 = arith.cmpi ne, %convert_element_type3A, %cond3A : i32
    scf.if %cond3A_10 {
      "tpu.region"() ({
        %run_scoped3A = tpu.sem_alloc : memref<!tpu.dma_semaphore, #tpu.memory_space<semaphore_mem>>
        %dma_start3A = arith.constant 0 : i32
        %dma_start3A_36 = tpu.memref_slice %arg11[%mul3A_0, %dma_start3A] : memref<10000x72xf32, #tpu.memory_space<vmem_shared>> -> memref<632x72xf32, #tpu.memory_space<vmem_shared>>
        %dma_start3A_37 = arith.constant 0 : i32
        %dma_start3A_38 = tpu.memref_slice %arg11[%mul3A_0, %dma_start3A_37] : memref<10000x72xf32, #tpu.memory_space<vmem_shared>> -> memref<632x72xf32, #tpu.memory_space<vmem_shared>>
        tpu.enqueue_dma source(%arg10 : memref<632x72xf32, #tpu.memory_space<vmem>>) target(%dma_start3A_38 : memref<632x72xf32, #tpu.memory_space<vmem_shared>>) target_semaphore(%run_scoped3A : memref<!tpu.dma_semaphore, #tpu.memory_space<semaphore_mem>>)
        %dma_wait3A = arith.constant 0 : i32
        %dma_wait3A_39 = tpu.memref_slice %arg11[%mul3A_0, %dma_wait3A] : memref<10000x72xf32, #tpu.memory_space<vmem_shared>> -> memref<632x72xf32, #tpu.memory_space<vmem_shared>>
        %dma_wait3A_40 = arith.constant 0 : i32
        %dma_wait3A_41 = tpu.memref_slice %arg11[%mul3A_0, %dma_wait3A_40] : memref<10000x72xf32, #tpu.memory_space<vmem_shared>> -> memref<632x72xf32, #tpu.memory_space<vmem_shared>>
        tpu.wait_dma2 semaphore(%run_scoped3A : memref<!tpu.dma_semaphore, #tpu.memory_space<semaphore_mem>>) src(%arg10 : memref<632x72xf32, #tpu.memory_space<vmem>>) dst(%dma_wait3A_41 : memref<632x72xf32, #tpu.memory_space<vmem_shared>>)
        tpu.yield
      }) : () -> ()
    } else {
    }
    %eq3A = arith.constant 15 : i32
    %eq3A_11 = arith.cmpi eq, %arg1, %eq3A : i32
    %convert_element_type3A_12 = arith.extui %eq3A_11 : i1 to i32
    %cond3A_13 = arith.constant 0 : i32
    %cond3A_14 = arith.cmpi ne, %convert_element_type3A_12, %cond3A_13 : i32
    scf.if %cond3A_14 {
      "tpu.region"() ({
        %run_scoped3A = tpu.sem_alloc : memref<!tpu.dma_semaphore, #tpu.memory_space<semaphore_mem>>
        %dma_start3A = arith.constant 0 : i32
        %dma_start3A_36 = arith.constant 0 : i32
        %dma_start3A_37 = tpu.memref_slice %arg10[%dma_start3A, %dma_start3A_36] : memref<632x72xf32, #tpu.memory_space<vmem>> -> memref<520x72xf32, #tpu.memory_space<vmem>>
        %dma_start3A_38 = arith.constant 9480 : i32
        %dma_start3A_39 = arith.constant 0 : i32
        %dma_start3A_40 = tpu.memref_slice %arg11[%dma_start3A_38, %dma_start3A_39] : memref<10000x72xf32, #tpu.memory_space<vmem_shared>> -> memref<520x72xf32, #tpu.memory_space<vmem_shared>>
        %dma_start3A_41 = arith.constant 9480 : i32
        %dma_start3A_42 = arith.constant 0 : i32
        %dma_start3A_43 = tpu.memref_slice %arg11[%dma_start3A_41, %dma_start3A_42] : memref<10000x72xf32, #tpu.memory_space<vmem_shared>> -> memref<520x72xf32, #tpu.memory_space<vmem_shared>>
        %dma_start3A_44 = arith.constant 0 : i32
        %dma_start3A_45 = arith.constant 0 : i32
        %dma_start3A_46 = tpu.memref_slice %arg10[%dma_start3A_44, %dma_start3A_45] : memref<632x72xf32, #tpu.memory_space<vmem>> -> memref<520x72xf32, #tpu.memory_space<vmem>>
        tpu.enqueue_dma source(%dma_start3A_46 : memref<520x72xf32, #tpu.memory_space<vmem>>) target(%dma_start3A_43 : memref<520x72xf32, #tpu.memory_space<vmem_shared>>) target_semaphore(%run_scoped3A : memref<!tpu.dma_semaphore, #tpu.memory_space<semaphore_mem>>)
        %dma_wait3A = arith.constant 0 : i32
        %dma_wait3A_47 = arith.constant 0 : i32
        %dma_wait3A_48 = tpu.memref_slice %arg10[%dma_wait3A, %dma_wait3A_47] : memref<632x72xf32, #tpu.memory_space<vmem>> -> memref<520x72xf32, #tpu.memory_space<vmem>>
        %dma_wait3A_49 = arith.constant 9480 : i32
        %dma_wait3A_50 = arith.constant 0 : i32
        %dma_wait3A_51 = tpu.memref_slice %arg11[%dma_wait3A_49, %dma_wait3A_50] : memref<10000x72xf32, #tpu.memory_space<vmem_shared>> -> memref<520x72xf32, #tpu.memory_space<vmem_shared>>
        %dma_wait3A_52 = arith.constant 9480 : i32
        %dma_wait3A_53 = arith.constant 0 : i32
        %dma_wait3A_54 = tpu.memref_slice %arg11[%dma_wait3A_52, %dma_wait3A_53] : memref<10000x72xf32, #tpu.memory_space<vmem_shared>> -> memref<520x72xf32, #tpu.memory_space<vmem_shared>>
        %dma_wait3A_55 = arith.constant 0 : i32
        %dma_wait3A_56 = arith.constant 0 : i32
        %dma_wait3A_57 = tpu.memref_slice %arg10[%dma_wait3A_55, %dma_wait3A_56] : memref<632x72xf32, #tpu.memory_space<vmem>> -> memref<520x72xf32, #tpu.memory_space<vmem>>
        tpu.wait_dma2 semaphore(%run_scoped3A : memref<!tpu.dma_semaphore, #tpu.memory_space<semaphore_mem>>) src(%dma_wait3A_57 : memref<520x72xf32, #tpu.memory_space<vmem>>) dst(%dma_wait3A_54 : memref<520x72xf32, #tpu.memory_space<vmem_shared>>)
        tpu.yield
      }) : () -> ()
    } else {
    }
    %barrier3A = arith.constant 0 : index
    tpu.barrier barrier_id(%barrier3A)
    %eq3A_15 = arith.constant 0 : i32
    %eq3A_16 = arith.cmpi eq, %arg0, %eq3A_15 : i32
    %convert_element_type3A_17 = arith.extui %eq3A_16 : i1 to i32
    %cond3A_18 = arith.constant 0 : i32
    %cond3A_19 = arith.cmpi ne, %convert_element_type3A_17, %cond3A_18 : i32
    scf.if %cond3A_19 {
      %eq3A_36 = arith.constant 15 : i32
      %eq3A_37 = arith.cmpi eq, %arg1, %eq3A_36 : i32
      %jit3A = arith.constant 5 : i32
      %jit3A_38 = arith.constant 8 : i32
      %select_n3A = arith.select %eq3A_37, %jit3A, %jit3A_38 : i32
      %add3A = arith.constant 0 : i32
      %add3A_39 = arith.addi %mul3A_2, %add3A : i32
      %dma_start3A = arith.constant 0 : i32
      %dma_start3A_40 = arith.constant 0 : i32
      %dma_start3A_41 = arith.constant 0 : i32
      %dma_start3A_42 = tpu.memref_slice %arg6[%dma_start3A_40, %dma_start3A_41] : memref<40x128xi32, #tpu.memory_space<vmem>> -> memref<20x128xi32, #tpu.memory_space<vmem>>
      %dma_start3A_43 = arith.constant 0 : i32
      %dma_start3A_44 = tpu.memref_slice %arg4[%dma_start3A, %add3A_39, %dma_start3A_43] : memref<2x2500x128xi32, #tpu.memory_space<hbm>> -> memref<1x20x128xi32, #tpu.memory_space<hbm>>
      %dma_start3A_45 = tpu.memref_squeeze %dma_start3A_44 : memref<1x20x128xi32, #tpu.memory_space<hbm>> -> memref<20x128xi32, #tpu.memory_space<hbm>>
      %dma_start3A_46 = arith.constant 0 : i32
      %dma_start3A_47 = arith.constant 0 : i32
      %dma_start3A_48 = tpu.memref_slice %arg6[%dma_start3A_46, %dma_start3A_47] : memref<40x128xi32, #tpu.memory_space<vmem>> -> memref<20x128xi32, #tpu.memory_space<vmem>>
      %dma_start3A_49 = arith.constant 0 : i32
      %dma_start3A_50 = tpu.memref_slice %arg4[%dma_start3A, %add3A_39, %dma_start3A_49] : memref<2x2500x128xi32, #tpu.memory_space<hbm>> -> memref<1x20x128xi32, #tpu.memory_space<hbm>>
      %dma_start3A_51 = tpu.memref_squeeze %dma_start3A_50 : memref<1x20x128xi32, #tpu.memory_space<hbm>> -> memref<20x128xi32, #tpu.memory_space<hbm>>
      tpu.enqueue_dma source(%dma_start3A_51 : memref<20x128xi32, #tpu.memory_space<hbm>>) target(%dma_start3A_48 : memref<20x128xi32, #tpu.memory_space<vmem>>) target_semaphore(%arg14 : memref<!tpu.dma_semaphore, #tpu.memory_space<semaphore_mem>>)
      %add3A_52 = arith.constant 0 : i32
      %add3A_53 = arith.addi %mul3A_2, %add3A_52 : i32
      %dma_start3A_54 = arith.constant 1 : i32
      %dma_start3A_55 = arith.constant 0 : i32
      %dma_start3A_56 = arith.constant 0 : i32
      %dma_start3A_57 = tpu.memref_slice %arg7[%dma_start3A_55, %dma_start3A_56] : memref<40x128xi32, #tpu.memory_space<vmem>> -> memref<20x128xi32, #tpu.memory_space<vmem>>
      %dma_start3A_58 = arith.constant 0 : i32
      %dma_start3A_59 = tpu.memref_slice %arg4[%dma_start3A_54, %add3A_53, %dma_start3A_58] : memref<2x2500x128xi32, #tpu.memory_space<hbm>> -> memref<1x20x128xi32, #tpu.memory_space<hbm>>
      %dma_start3A_60 = tpu.memref_squeeze %dma_start3A_59 : memref<1x20x128xi32, #tpu.memory_space<hbm>> -> memref<20x128xi32, #tpu.memory_space<hbm>>
      %dma_start3A_61 = arith.constant 0 : i32
      %dma_start3A_62 = arith.constant 0 : i32
      %dma_start3A_63 = tpu.memref_slice %arg7[%dma_start3A_61, %dma_start3A_62] : memref<40x128xi32, #tpu.memory_space<vmem>> -> memref<20x128xi32, #tpu.memory_space<vmem>>
      %dma_start3A_64 = arith.constant 0 : i32
      %dma_start3A_65 = tpu.memref_slice %arg4[%dma_start3A_54, %add3A_53, %dma_start3A_64] : memref<2x2500x128xi32, #tpu.memory_space<hbm>> -> memref<1x20x128xi32, #tpu.memory_space<hbm>>
      %dma_start3A_66 = tpu.memref_squeeze %dma_start3A_65 : memref<1x20x128xi32, #tpu.memory_space<hbm>> -> memref<20x128xi32, #tpu.memory_space<hbm>>
      tpu.enqueue_dma source(%dma_start3A_66 : memref<20x128xi32, #tpu.memory_space<hbm>>) target(%dma_start3A_63 : memref<20x128xi32, #tpu.memory_space<vmem>>) target_semaphore(%arg14 : memref<!tpu.dma_semaphore, #tpu.memory_space<semaphore_mem>>)
      %dma_wait3A = arith.constant 0 : i32
      %dma_wait3A_67 = arith.constant 0 : i32
      %dma_wait3A_68 = arith.constant 0 : i32
      %dma_wait3A_69 = tpu.memref_slice %arg6[%dma_wait3A_67, %dma_wait3A_68] : memref<40x128xi32, #tpu.memory_space<vmem>> -> memref<20x128xi32, #tpu.memory_space<vmem>>
      %dma_wait3A_70 = arith.constant 0 : i32
      %dma_wait3A_71 = arith.constant 0 : i32
      %dma_wait3A_72 = tpu.memref_slice %arg4[%dma_wait3A, %dma_wait3A_70, %dma_wait3A_71] : memref<2x2500x128xi32, #tpu.memory_space<hbm>> -> memref<1x20x128xi32, #tpu.memory_space<hbm>>
      %dma_wait3A_73 = tpu.memref_squeeze %dma_wait3A_72 : memref<1x20x128xi32, #tpu.memory_space<hbm>> -> memref<20x128xi32, #tpu.memory_space<hbm>>
      %dma_wait3A_74 = arith.constant 0 : i32
      %dma_wait3A_75 = arith.constant 0 : i32
      %dma_wait3A_76 = tpu.memref_slice %arg6[%dma_wait3A_74, %dma_wait3A_75] : memref<40x128xi32, #tpu.memory_space<vmem>> -> memref<20x128xi32, #tpu.memory_space<vmem>>
      %dma_wait3A_77 = arith.constant 0 : i32
      %dma_wait3A_78 = arith.constant 0 : i32
      %dma_wait3A_79 = tpu.memref_slice %arg4[%dma_wait3A, %dma_wait3A_77, %dma_wait3A_78] : memref<2x2500x128xi32, #tpu.memory_space<hbm>> -> memref<1x20x128xi32, #tpu.memory_space<hbm>>
      %dma_wait3A_80 = tpu.memref_squeeze %dma_wait3A_79 : memref<1x20x128xi32, #tpu.memory_space<hbm>> -> memref<20x128xi32, #tpu.memory_space<hbm>>
      tpu.wait_dma2 semaphore(%arg14 : memref<!tpu.dma_semaphore, #tpu.memory_space<semaphore_mem>>) src(%dma_wait3A_80 : memref<20x128xi32, #tpu.memory_space<hbm>>) dst(%dma_wait3A_76 : memref<20x128xi32, #tpu.memory_space<vmem>>)
      %dma_wait3A_81 = arith.constant 1 : i32
      %dma_wait3A_82 = arith.constant 0 : i32
      %dma_wait3A_83 = arith.constant 0 : i32
      %dma_wait3A_84 = tpu.memref_slice %arg7[%dma_wait3A_82, %dma_wait3A_83] : memref<40x128xi32, #tpu.memory_space<vmem>> -> memref<20x128xi32, #tpu.memory_space<vmem>>
      %dma_wait3A_85 = arith.constant 0 : i32
      %dma_wait3A_86 = arith.constant 0 : i32
      %dma_wait3A_87 = tpu.memref_slice %arg4[%dma_wait3A_81, %dma_wait3A_85, %dma_wait3A_86] : memref<2x2500x128xi32, #tpu.memory_space<hbm>> -> memref<1x20x128xi32, #tpu.memory_space<hbm>>
      %dma_wait3A_88 = tpu.memref_squeeze %dma_wait3A_87 : memref<1x20x128xi32, #tpu.memory_space<hbm>> -> memref<20x128xi32, #tpu.memory_space<hbm>>
      %dma_wait3A_89 = arith.constant 0 : i32
      %dma_wait3A_90 = arith.constant 0 : i32
      %dma_wait3A_91 = tpu.memref_slice %arg7[%dma_wait3A_89, %dma_wait3A_90] : memref<40x128xi32, #tpu.memory_space<vmem>> -> memref<20x128xi32, #tpu.memory_space<vmem>>
      %dma_wait3A_92 = arith.constant 0 : i32
      %dma_wait3A_93 = arith.constant 0 : i32
      %dma_wait3A_94 = tpu.memref_slice %arg4[%dma_wait3A_81, %dma_wait3A_92, %dma_wait3A_93] : memref<2x2500x128xi32, #tpu.memory_space<hbm>> -> memref<1x20x128xi32, #tpu.memory_space<hbm>>
      %dma_wait3A_95 = tpu.memref_squeeze %dma_wait3A_94 : memref<1x20x128xi32, #tpu.memory_space<hbm>> -> memref<20x128xi32, #tpu.memory_space<hbm>>
      tpu.wait_dma2 semaphore(%arg14 : memref<!tpu.dma_semaphore, #tpu.memory_space<semaphore_mem>>) src(%dma_wait3A_95 : memref<20x128xi32, #tpu.memory_space<hbm>>) dst(%dma_wait3A_91 : memref<20x128xi32, #tpu.memory_space<vmem>>)
      %while3A = arith.constant 0 : i32
      %while3A_96 = arith.constant 0 : i32
      %while3A_97 = arith.subi %select_n3A, %while3A_96 : i32
      %while3A_98 = arith.addi %while3A_96, %while3A_97 : i32
      %while3A_99 = arith.constant 1 : i32
      %while3A_100 = arith.divsi %while3A_97, %while3A_99 : i32
      %while3A_101 = arith.muli %while3A_100, %while3A_99 : i32
      %while3A_102 = arith.addi %while3A_96, %while3A_101 : i32
      %while3A_103 = arith.constant 1 : i32
      scf.for %while3A_105 = %while3A_96 to %while3A_102 step %while3A_103  : i32 {
        %rem3A = arith.constant 2 : i32
        %rem3A_106 = arith.remsi %while3A_105, %rem3A : i32
        %mul3A_107 = arith.constant 20 : i32
        %mul3A_108 = arith.muli %rem3A_106, %mul3A_107 : i32
        %add3A_109 = arith.constant 1 : i32
        %add3A_110 = arith.addi %while3A_105, %add3A_109 : i32
        %lt3A_111 = arith.cmpi slt, %add3A_110, %select_n3A : i32
        %convert_element_type3A_112 = arith.extui %lt3A_111 : i1 to i32
        %cond3A_113 = arith.constant 0 : i32
        %cond3A_114 = arith.cmpi ne, %convert_element_type3A_112, %cond3A_113 : i32
        scf.if %cond3A_114 {
          %add3A_133 = arith.constant 1 : i32
          %add3A_134 = arith.addi %while3A_105, %add3A_133 : i32
          %sub3A = arith.constant 1 : i32
          %sub3A_135 = arith.subi %sub3A, %rem3A_106 : i32
          %mul3A_136 = arith.constant 20 : i32
          %mul3A_137 = arith.muli %add3A_134, %mul3A_136 : i32
          %add3A_138 = arith.addi %mul3A_2, %mul3A_137 : i32
          %mul3A_139 = arith.constant 20 : i32
          %mul3A_140 = arith.muli %sub3A_135, %mul3A_139 : i32
          %dma_start3A_141 = arith.constant 0 : i32
          %dma_start3A_142 = arith.constant 0 : i32
          %dma_start3A_143 = tpu.memref_slice %arg6[%mul3A_140, %dma_start3A_142] : memref<40x128xi32, #tpu.memory_space<vmem>> -> memref<20x128xi32, #tpu.memory_space<vmem>>
          %dma_start3A_144 = arith.constant 0 : i32
          %dma_start3A_145 = tpu.memref_slice %arg4[%dma_start3A_141, %add3A_138, %dma_start3A_144] : memref<2x2500x128xi32, #tpu.memory_space<hbm>> -> memref<1x20x128xi32, #tpu.memory_space<hbm>>
          %dma_start3A_146 = tpu.memref_squeeze %dma_start3A_145 : memref<1x20x128xi32, #tpu.memory_space<hbm>> -> memref<20x128xi32, #tpu.memory_space<hbm>>
          %dma_start3A_147 = arith.constant 0 : i32
          %dma_start3A_148 = tpu.memref_slice %arg6[%mul3A_140, %dma_start3A_147] : memref<40x128xi32, #tpu.memory_space<vmem>> -> memref<20x128xi32, #tpu.memory_space<vmem>>
          %dma_start3A_149 = arith.constant 0 : i32
          %dma_start3A_150 = tpu.memref_slice %arg4[%dma_start3A_141, %add3A_138, %dma_start3A_149] : memref<2x2500x128xi32, #tpu.memory_space<hbm>> -> memref<1x20x128xi32, #tpu.memory_space<hbm>>
          %dma_start3A_151 = tpu.memref_squeeze %dma_start3A_150 : memref<1x20x128xi32, #tpu.memory_space<hbm>> -> memref<20x128xi32, #tpu.memory_space<hbm>>
          tpu.enqueue_dma source(%dma_start3A_151 : memref<20x128xi32, #tpu.memory_space<hbm>>) target(%dma_start3A_148 : memref<20x128xi32, #tpu.memory_space<vmem>>) target_semaphore(%arg14 : memref<!tpu.dma_semaphore, #tpu.memory_space<semaphore_mem>>)
          %mul3A_152 = arith.constant 20 : i32
          %mul3A_153 = arith.muli %add3A_134, %mul3A_152 : i32
          %add3A_154 = arith.addi %mul3A_2, %mul3A_153 : i32
          %mul3A_155 = arith.constant 20 : i32
          %mul3A_156 = arith.muli %sub3A_135, %mul3A_155 : i32
          %dma_start3A_157 = arith.constant 1 : i32
          %dma_start3A_158 = arith.constant 0 : i32
          %dma_start3A_159 = tpu.memref_slice %arg7[%mul3A_156, %dma_start3A_158] : memref<40x128xi32, #tpu.memory_space<vmem>> -> memref<20x128xi32, #tpu.memory_space<vmem>>
          %dma_start3A_160 = arith.constant 0 : i32
          %dma_start3A_161 = tpu.memref_slice %arg4[%dma_start3A_157, %add3A_154, %dma_start3A_160] : memref<2x2500x128xi32, #tpu.memory_space<hbm>> -> memref<1x20x128xi32, #tpu.memory_space<hbm>>
          %dma_start3A_162 = tpu.memref_squeeze %dma_start3A_161 : memref<1x20x128xi32, #tpu.memory_space<hbm>> -> memref<20x128xi32, #tpu.memory_space<hbm>>
          %dma_start3A_163 = arith.constant 0 : i32
          %dma_start3A_164 = tpu.memref_slice %arg7[%mul3A_156, %dma_start3A_163] : memref<40x128xi32, #tpu.memory_space<vmem>> -> memref<20x128xi32, #tpu.memory_space<vmem>>
          %dma_start3A_165 = arith.constant 0 : i32
          %dma_start3A_166 = tpu.memref_slice %arg4[%dma_start3A_157, %add3A_154, %dma_start3A_165] : memref<2x2500x128xi32, #tpu.memory_space<hbm>> -> memref<1x20x128xi32, #tpu.memory_space<hbm>>
          %dma_start3A_167 = tpu.memref_squeeze %dma_start3A_166 : memref<1x20x128xi32, #tpu.memory_space<hbm>> -> memref<20x128xi32, #tpu.memory_space<hbm>>
          tpu.enqueue_dma source(%dma_start3A_167 : memref<20x128xi32, #tpu.memory_space<hbm>>) target(%dma_start3A_164 : memref<20x128xi32, #tpu.memory_space<vmem>>) target_semaphore(%arg14 : memref<!tpu.dma_semaphore, #tpu.memory_space<semaphore_mem>>)
        } else {
        }
        %dma_start3A_115 = arith.constant 0 : i32
        %dma_start3A_116 = tpu.memref_slice %arg6[%mul3A_108, %dma_start3A_115] : memref<40x128xi32, #tpu.memory_space<vmem>> -> memref<1x128xi32, #tpu.memory_space<vmem>>
        %dma_start3A_117 = tpu.memref_squeeze %dma_start3A_116 : memref<1x128xi32, #tpu.memory_space<vmem>> -> memref<128xi32, #tpu.memory_space<vmem>>
        %dma_start3A_118 = arith.constant 0 : i32
        %dma_start3A_119 = arith.constant 0 : i32
        %dma_start3A_120 = tpu.memref_slice %arg2[%dma_start3A_118, %dma_start3A_119] : memref<10000x72xf32, #tpu.memory_space<hbm>> -> memref<10000x72xf32, #tpu.memory_space<hbm>>
        tpu.enqueue_indirect_dma source(%dma_start3A_120 : memref<10000x72xf32, #tpu.memory_space<hbm>>) target(%arg8 : memref<128x72xf32, #tpu.memory_space<vmem>>) offsets(%dma_start3A_117 : memref<128xi32, #tpu.memory_space<vmem>>) semaphore(%arg12 : memref<!tpu.dma_semaphore, #tpu.memory_space<semaphore_mem>>)
        %scan3A_121 = arith.constant 0 : i32
        %scan3A_122 = arith.constant 0 : i32
        %scan3A_123 = arith.constant 10 : i32
        %scan3A_124 = arith.addi %scan3A_122, %scan3A_123 : i32
        %scan3A_125 = arith.constant 1 : i32
        scf.for %scan3A_133 = %scan3A_122 to %scan3A_124 step %scan3A_125  : i32 {
          %mul3A_134 = arith.constant 2 : i32
          %mul3A_135 = arith.muli %mul3A_134, %scan3A_133 : i32
          %add3A_136 = arith.addi %mul3A_108, %mul3A_135 : i32
          %add3A_137 = arith.constant 1 : i32
          %add3A_138 = arith.addi %add3A_136, %add3A_137 : i32
          %dma_start3A_139 = arith.constant 0 : i32
          %dma_start3A_140 = tpu.memref_slice %arg6[%add3A_138, %dma_start3A_139] : memref<40x128xi32, #tpu.memory_space<vmem>> -> memref<1x128xi32, #tpu.memory_space<vmem>>
          %dma_start3A_141 = tpu.memref_squeeze %dma_start3A_140 : memref<1x128xi32, #tpu.memory_space<vmem>> -> memref<128xi32, #tpu.memory_space<vmem>>
          %dma_start3A_142 = arith.constant 0 : i32
          %dma_start3A_143 = arith.constant 0 : i32
          %dma_start3A_144 = tpu.memref_slice %arg2[%dma_start3A_142, %dma_start3A_143] : memref<10000x72xf32, #tpu.memory_space<hbm>> -> memref<10000x72xf32, #tpu.memory_space<hbm>>
          tpu.enqueue_indirect_dma source(%dma_start3A_144 : memref<10000x72xf32, #tpu.memory_space<hbm>>) target(%arg9 : memref<128x72xf32, #tpu.memory_space<vmem>>) offsets(%dma_start3A_141 : memref<128xi32, #tpu.memory_space<vmem>>) semaphore(%arg13 : memref<!tpu.dma_semaphore, #tpu.memory_space<semaphore_mem>>)
          %dma_wait3A_145 = arith.constant 0 : i32
          %dma_wait3A_146 = arith.constant 0 : i32
          %dma_wait3A_147 = tpu.memref_slice %arg6[%dma_wait3A_145, %dma_wait3A_146] : memref<40x128xi32, #tpu.memory_space<vmem>> -> memref<1x128xi32, #tpu.memory_space<vmem>>
          %dma_wait3A_148 = tpu.memref_squeeze %dma_wait3A_147 : memref<1x128xi32, #tpu.memory_space<vmem>> -> memref<128xi32, #tpu.memory_space<vmem>>
          %dma_wait3A_149 = arith.constant 0 : i32
          %dma_wait3A_150 = arith.constant 0 : i32
          %dma_wait3A_151 = tpu.memref_slice %arg2[%dma_wait3A_149, %dma_wait3A_150] : memref<10000x72xf32, #tpu.memory_space<hbm>> -> memref<10000x72xf32, #tpu.memory_space<hbm>>
          tpu.wait_indirect_dma semaphore(%arg12 : memref<!tpu.dma_semaphore, #tpu.memory_space<semaphore_mem>>) src(%dma_wait3A_151 : memref<10000x72xf32, #tpu.memory_space<hbm>>) dst(%arg8 : memref<128x72xf32, #tpu.memory_space<vmem>>)
          "tpu.region"() ({
            %run_scoped3A = tpu.sem_alloc : memref<!tpu.dma_semaphore, #tpu.memory_space<semaphore_mem>>
            %dma_start3A_168 = arith.constant 0 : i32
            %dma_start3A_169 = tpu.memref_slice %arg7[%add3A_136, %dma_start3A_168] : memref<40x128xi32, #tpu.memory_space<vmem>> -> memref<1x128xi32, #tpu.memory_space<vmem>>
            %dma_start3A_170 = tpu.memref_squeeze %dma_start3A_169 : memref<1x128xi32, #tpu.memory_space<vmem>> -> memref<128xi32, #tpu.memory_space<vmem>>
            %dma_start3A_171 = arith.constant 0 : i32
            %dma_start3A_172 = arith.constant 0 : i32
            %dma_start3A_173 = tpu.memref_slice %arg11[%dma_start3A_171, %dma_start3A_172] : memref<10000x72xf32, #tpu.memory_space<vmem_shared>> -> memref<10000x72xf32, #tpu.memory_space<vmem_shared>>
            tpu.enqueue_indirect_dma source(%arg8 : memref<128x72xf32, #tpu.memory_space<vmem>>) target(%dma_start3A_173 : memref<10000x72xf32, #tpu.memory_space<vmem_shared>>) offsets(%dma_start3A_170 : memref<128xi32, #tpu.memory_space<vmem>>) semaphore(%run_scoped3A : memref<!tpu.dma_semaphore, #tpu.memory_space<semaphore_mem>>) {add = true}
            %dma_wait3A_174 = arith.constant 0 : i32
            %dma_wait3A_175 = tpu.memref_slice %arg7[%add3A_136, %dma_wait3A_174] : memref<40x128xi32, #tpu.memory_space<vmem>> -> memref<1x128xi32, #tpu.memory_space<vmem>>
            %dma_wait3A_176 = tpu.memref_squeeze %dma_wait3A_175 : memref<1x128xi32, #tpu.memory_space<vmem>> -> memref<128xi32, #tpu.memory_space<vmem>>
            %dma_wait3A_177 = arith.constant 0 : i32
            %dma_wait3A_178 = arith.constant 0 : i32
            %dma_wait3A_179 = tpu.memref_slice %arg11[%dma_wait3A_177, %dma_wait3A_178] : memref<10000x72xf32, #tpu.memory_space<vmem_shared>> -> memref<10000x72xf32, #tpu.memory_space<vmem_shared>>
            tpu.wait_indirect_dma semaphore(%run_scoped3A : memref<!tpu.dma_semaphore, #tpu.memory_space<semaphore_mem>>) src(%arg8 : memref<128x72xf32, #tpu.memory_space<vmem>>) dst(%dma_wait3A_179 : memref<10000x72xf32, #tpu.memory_space<vmem_shared>>)
            tpu.yield
          }) : () -> ()
          %add3A_152 = arith.constant 1 : i32
          %add3A_153 = arith.addi %scan3A_133, %add3A_152 : i32
          %lt3A_154 = arith.constant 10 : i32
          %lt3A_155 = arith.cmpi slt, %add3A_153, %lt3A_154 : i32
          %convert_element_type3A_156 = arith.extui %lt3A_155 : i1 to i32
          %cond3A_157 = arith.constant 0 : i32
          %cond3A_158 = arith.cmpi ne, %convert_element_type3A_156, %cond3A_157 : i32
          scf.if %cond3A_158 {
            %add3A_168 = arith.constant 2 : i32
            %add3A_169 = arith.addi %add3A_136, %add3A_168 : i32
            %dma_start3A_170 = arith.constant 0 : i32
            %dma_start3A_171 = tpu.memref_slice %arg6[%add3A_169, %dma_start3A_170] : memref<40x128xi32, #tpu.memory_space<vmem>> -> memref<1x128xi32, #tpu.memory_space<vmem>>
            %dma_start3A_172 = tpu.memref_squeeze %dma_start3A_171 : memref<1x128xi32, #tpu.memory_space<vmem>> -> memref<128xi32, #tpu.memory_space<vmem>>
            %dma_start3A_173 = arith.constant 0 : i32
            %dma_start3A_174 = arith.constant 0 : i32
            %dma_start3A_175 = tpu.memref_slice %arg2[%dma_start3A_173, %dma_start3A_174] : memref<10000x72xf32, #tpu.memory_space<hbm>> -> memref<10000x72xf32, #tpu.memory_space<hbm>>
            tpu.enqueue_indirect_dma source(%dma_start3A_175 : memref<10000x72xf32, #tpu.memory_space<hbm>>) target(%arg8 : memref<128x72xf32, #tpu.memory_space<vmem>>) offsets(%dma_start3A_172 : memref<128xi32, #tpu.memory_space<vmem>>) semaphore(%arg12 : memref<!tpu.dma_semaphore, #tpu.memory_space<semaphore_mem>>)
          } else {
          }
          %add3A_159 = arith.constant 1 : i32
          %add3A_160 = arith.addi %add3A_136, %add3A_159 : i32
          %dma_wait3A_161 = arith.constant 0 : i32
          %dma_wait3A_162 = arith.constant 0 : i32
          %dma_wait3A_163 = tpu.memref_slice %arg6[%dma_wait3A_161, %dma_wait3A_162] : memref<40x128xi32, #tpu.memory_space<vmem>> -> memref<1x128xi32, #tpu.memory_space<vmem>>
          %dma_wait3A_164 = tpu.memref_squeeze %dma_wait3A_163 : memref<1x128xi32, #tpu.memory_space<vmem>> -> memref<128xi32, #tpu.memory_space<vmem>>
          %dma_wait3A_165 = arith.constant 0 : i32
          %dma_wait3A_166 = arith.constant 0 : i32
          %dma_wait3A_167 = tpu.memref_slice %arg2[%dma_wait3A_165, %dma_wait3A_166] : memref<10000x72xf32, #tpu.memory_space<hbm>> -> memref<10000x72xf32, #tpu.memory_space<hbm>>
          tpu.wait_indirect_dma semaphore(%arg13 : memref<!tpu.dma_semaphore, #tpu.memory_space<semaphore_mem>>) src(%dma_wait3A_167 : memref<10000x72xf32, #tpu.memory_space<hbm>>) dst(%arg9 : memref<128x72xf32, #tpu.memory_space<vmem>>)
          "tpu.region"() ({
            %run_scoped3A = tpu.sem_alloc : memref<!tpu.dma_semaphore, #tpu.memory_space<semaphore_mem>>
            %dma_start3A_168 = arith.constant 0 : i32
            %dma_start3A_169 = tpu.memref_slice %arg7[%add3A_160, %dma_start3A_168] : memref<40x128xi32, #tpu.memory_space<vmem>> -> memref<1x128xi32, #tpu.memory_space<vmem>>
            %dma_start3A_170 = tpu.memref_squeeze %dma_start3A_169 : memref<1x128xi32, #tpu.memory_space<vmem>> -> memref<128xi32, #tpu.memory_space<vmem>>
            %dma_start3A_171 = arith.constant 0 : i32
            %dma_start3A_172 = arith.constant 0 : i32
            %dma_start3A_173 = tpu.memref_slice %arg11[%dma_start3A_171, %dma_start3A_172] : memref<10000x72xf32, #tpu.memory_space<vmem_shared>> -> memref<10000x72xf32, #tpu.memory_space<vmem_shared>>
            tpu.enqueue_indirect_dma source(%arg9 : memref<128x72xf32, #tpu.memory_space<vmem>>) target(%dma_start3A_173 : memref<10000x72xf32, #tpu.memory_space<vmem_shared>>) offsets(%dma_start3A_170 : memref<128xi32, #tpu.memory_space<vmem>>) semaphore(%run_scoped3A : memref<!tpu.dma_semaphore, #tpu.memory_space<semaphore_mem>>) {add = true}
            %dma_wait3A_174 = arith.constant 0 : i32
            %dma_wait3A_175 = tpu.memref_slice %arg7[%add3A_160, %dma_wait3A_174] : memref<40x128xi32, #tpu.memory_space<vmem>> -> memref<1x128xi32, #tpu.memory_space<vmem>>
            %dma_wait3A_176 = tpu.memref_squeeze %dma_wait3A_175 : memref<1x128xi32, #tpu.memory_space<vmem>> -> memref<128xi32, #tpu.memory_space<vmem>>
            %dma_wait3A_177 = arith.constant 0 : i32
            %dma_wait3A_178 = arith.constant 0 : i32
            %dma_wait3A_179 = tpu.memref_slice %arg11[%dma_wait3A_177, %dma_wait3A_178] : memref<10000x72xf32, #tpu.memory_space<vmem_shared>> -> memref<10000x72xf32, #tpu.memory_space<vmem_shared>>
            tpu.wait_indirect_dma semaphore(%run_scoped3A : memref<!tpu.dma_semaphore, #tpu.memory_space<semaphore_mem>>) src(%arg9 : memref<128x72xf32, #tpu.memory_space<vmem>>) dst(%dma_wait3A_179 : memref<10000x72xf32, #tpu.memory_space<vmem_shared>>)
            tpu.yield
          }) : () -> ()
        }
        %scan3A_126 = arith.constant 10 : i32
        %add3A_127 = arith.constant 1 : i32
        %add3A_128 = arith.addi %while3A_105, %add3A_127 : i32
        %lt3A_129 = arith.cmpi slt, %add3A_128, %select_n3A : i32
        %convert_element_type3A_130 = arith.extui %lt3A_129 : i1 to i32
        %cond3A_131 = arith.constant 0 : i32
        %cond3A_132 = arith.cmpi ne, %convert_element_type3A_130, %cond3A_131 : i32
        scf.if %cond3A_132 {
          %dma_wait3A_133 = arith.constant 0 : i32
          %dma_wait3A_134 = arith.constant 0 : i32
          %dma_wait3A_135 = arith.constant 0 : i32
          %dma_wait3A_136 = tpu.memref_slice %arg6[%dma_wait3A_134, %dma_wait3A_135] : memref<40x128xi32, #tpu.memory_space<vmem>> -> memref<20x128xi32, #tpu.memory_space<vmem>>
          %dma_wait3A_137 = arith.constant 0 : i32
          %dma_wait3A_138 = arith.constant 0 : i32
          %dma_wait3A_139 = tpu.memref_slice %arg4[%dma_wait3A_133, %dma_wait3A_137, %dma_wait3A_138] : memref<2x2500x128xi32, #tpu.memory_space<hbm>> -> memref<1x20x128xi32, #tpu.memory_space<hbm>>
          %dma_wait3A_140 = tpu.memref_squeeze %dma_wait3A_139 : memref<1x20x128xi32, #tpu.memory_space<hbm>> -> memref<20x128xi32, #tpu.memory_space<hbm>>
          %dma_wait3A_141 = arith.constant 0 : i32
          %dma_wait3A_142 = arith.constant 0 : i32
          %dma_wait3A_143 = tpu.memref_slice %arg6[%dma_wait3A_141, %dma_wait3A_142] : memref<40x128xi32, #tpu.memory_space<vmem>> -> memref<20x128xi32, #tpu.memory_space<vmem>>
          %dma_wait3A_144 = arith.constant 0 : i32
          %dma_wait3A_145 = arith.constant 0 : i32
          %dma_wait3A_146 = tpu.memref_slice %arg4[%dma_wait3A_133, %dma_wait3A_144, %dma_wait3A_145] : memref<2x2500x128xi32, #tpu.memory_space<hbm>> -> memref<1x20x128xi32, #tpu.memory_space<hbm>>
          %dma_wait3A_147 = tpu.memref_squeeze %dma_wait3A_146 : memref<1x20x128xi32, #tpu.memory_space<hbm>> -> memref<20x128xi32, #tpu.memory_space<hbm>>
          tpu.wait_dma2 semaphore(%arg14 : memref<!tpu.dma_semaphore, #tpu.memory_space<semaphore_mem>>) src(%dma_wait3A_147 : memref<20x128xi32, #tpu.memory_space<hbm>>) dst(%dma_wait3A_143 : memref<20x128xi32, #tpu.memory_space<vmem>>)
          %dma_wait3A_148 = arith.constant 1 : i32
          %dma_wait3A_149 = arith.constant 0 : i32
          %dma_wait3A_150 = arith.constant 0 : i32
          %dma_wait3A_151 = tpu.memref_slice %arg7[%dma_wait3A_149, %dma_wait3A_150] : memref<40x128xi32, #tpu.memory_space<vmem>> -> memref<20x128xi32, #tpu.memory_space<vmem>>
          %dma_wait3A_152 = arith.constant 0 : i32
          %dma_wait3A_153 = arith.constant 0 : i32
          %dma_wait3A_154 = tpu.memref_slice %arg4[%dma_wait3A_148, %dma_wait3A_152, %dma_wait3A_153] : memref<2x2500x128xi32, #tpu.memory_space<hbm>> -> memref<1x20x128xi32, #tpu.memory_space<hbm>>
          %dma_wait3A_155 = tpu.memref_squeeze %dma_wait3A_154 : memref<1x20x128xi32, #tpu.memory_space<hbm>> -> memref<20x128xi32, #tpu.memory_space<hbm>>
          %dma_wait3A_156 = arith.constant 0 : i32
          %dma_wait3A_157 = arith.constant 0 : i32
          %dma_wait3A_158 = tpu.memref_slice %arg7[%dma_wait3A_156, %dma_wait3A_157] : memref<40x128xi32, #tpu.memory_space<vmem>> -> memref<20x128xi32, #tpu.memory_space<vmem>>
          %dma_wait3A_159 = arith.constant 0 : i32
          %dma_wait3A_160 = arith.constant 0 : i32
          %dma_wait3A_161 = tpu.memref_slice %arg4[%dma_wait3A_148, %dma_wait3A_159, %dma_wait3A_160] : memref<2x2500x128xi32, #tpu.memory_space<hbm>> -> memref<1x20x128xi32, #tpu.memory_space<hbm>>
          %dma_wait3A_162 = tpu.memref_squeeze %dma_wait3A_161 : memref<1x20x128xi32, #tpu.memory_space<hbm>> -> memref<20x128xi32, #tpu.memory_space<hbm>>
          tpu.wait_dma2 semaphore(%arg14 : memref<!tpu.dma_semaphore, #tpu.memory_space<semaphore_mem>>) src(%dma_wait3A_162 : memref<20x128xi32, #tpu.memory_space<hbm>>) dst(%dma_wait3A_158 : memref<20x128xi32, #tpu.memory_space<vmem>>)
        } else {
        }
      }
      %while3A_104 = arith.constant 1 : i32
      scf.for %while3A_105 = %while3A_102 to %while3A_98 step %while3A_104  : i32 {
        %rem3A = arith.constant 2 : i32
        %rem3A_106 = arith.remsi %while3A_105, %rem3A : i32
        %mul3A_107 = arith.constant 20 : i32
        %mul3A_108 = arith.muli %rem3A_106, %mul3A_107 : i32
        %add3A_109 = arith.constant 1 : i32
        %add3A_110 = arith.addi %while3A_105, %add3A_109 : i32
        %lt3A_111 = arith.cmpi slt, %add3A_110, %select_n3A : i32
        %convert_element_type3A_112 = arith.extui %lt3A_111 : i1 to i32
        %cond3A_113 = arith.constant 0 : i32
        %cond3A_114 = arith.cmpi ne, %convert_element_type3A_112, %cond3A_113 : i32
        scf.if %cond3A_114 {
          %add3A_133 = arith.constant 1 : i32
          %add3A_134 = arith.addi %while3A_105, %add3A_133 : i32
          %sub3A = arith.constant 1 : i32
          %sub3A_135 = arith.subi %sub3A, %rem3A_106 : i32
          %mul3A_136 = arith.constant 20 : i32
          %mul3A_137 = arith.muli %add3A_134, %mul3A_136 : i32
          %add3A_138 = arith.addi %mul3A_2, %mul3A_137 : i32
          %mul3A_139 = arith.constant 20 : i32
          %mul3A_140 = arith.muli %sub3A_135, %mul3A_139 : i32
          %dma_start3A_141 = arith.constant 0 : i32
          %dma_start3A_142 = arith.constant 0 : i32
          %dma_start3A_143 = tpu.memref_slice %arg6[%mul3A_140, %dma_start3A_142] : memref<40x128xi32, #tpu.memory_space<vmem>> -> memref<20x128xi32, #tpu.memory_space<vmem>>
          %dma_start3A_144 = arith.constant 0 : i32
          %dma_start3A_145 = tpu.memref_slice %arg4[%dma_start3A_141, %add3A_138, %dma_start3A_144] : memref<2x2500x128xi32, #tpu.memory_space<hbm>> -> memref<1x20x128xi32, #tpu.memory_space<hbm>>
          %dma_start3A_146 = tpu.memref_squeeze %dma_start3A_145 : memref<1x20x128xi32, #tpu.memory_space<hbm>> -> memref<20x128xi32, #tpu.memory_space<hbm>>
          %dma_start3A_147 = arith.constant 0 : i32
          %dma_start3A_148 = tpu.memref_slice %arg6[%mul3A_140, %dma_start3A_147] : memref<40x128xi32, #tpu.memory_space<vmem>> -> memref<20x128xi32, #tpu.memory_space<vmem>>
          %dma_start3A_149 = arith.constant 0 : i32
          %dma_start3A_150 = tpu.memref_slice %arg4[%dma_start3A_141, %add3A_138, %dma_start3A_149] : memref<2x2500x128xi32, #tpu.memory_space<hbm>> -> memref<1x20x128xi32, #tpu.memory_space<hbm>>
          %dma_start3A_151 = tpu.memref_squeeze %dma_start3A_150 : memref<1x20x128xi32, #tpu.memory_space<hbm>> -> memref<20x128xi32, #tpu.memory_space<hbm>>
          tpu.enqueue_dma source(%dma_start3A_151 : memref<20x128xi32, #tpu.memory_space<hbm>>) target(%dma_start3A_148 : memref<20x128xi32, #tpu.memory_space<vmem>>) target_semaphore(%arg14 : memref<!tpu.dma_semaphore, #tpu.memory_space<semaphore_mem>>)
          %mul3A_152 = arith.constant 20 : i32
          %mul3A_153 = arith.muli %add3A_134, %mul3A_152 : i32
          %add3A_154 = arith.addi %mul3A_2, %mul3A_153 : i32
          %mul3A_155 = arith.constant 20 : i32
          %mul3A_156 = arith.muli %sub3A_135, %mul3A_155 : i32
          %dma_start3A_157 = arith.constant 1 : i32
          %dma_start3A_158 = arith.constant 0 : i32
          %dma_start3A_159 = tpu.memref_slice %arg7[%mul3A_156, %dma_start3A_158] : memref<40x128xi32, #tpu.memory_space<vmem>> -> memref<20x128xi32, #tpu.memory_space<vmem>>
          %dma_start3A_160 = arith.constant 0 : i32
          %dma_start3A_161 = tpu.memref_slice %arg4[%dma_start3A_157, %add3A_154, %dma_start3A_160] : memref<2x2500x128xi32, #tpu.memory_space<hbm>> -> memref<1x20x128xi32, #tpu.memory_space<hbm>>
          %dma_start3A_162 = tpu.memref_squeeze %dma_start3A_161 : memref<1x20x128xi32, #tpu.memory_space<hbm>> -> memref<20x128xi32, #tpu.memory_space<hbm>>
          %dma_start3A_163 = arith.constant 0 : i32
          %dma_start3A_164 = tpu.memref_slice %arg7[%mul3A_156, %dma_start3A_163] : memref<40x128xi32, #tpu.memory_space<vmem>> -> memref<20x128xi32, #tpu.memory_space<vmem>>
          %dma_start3A_165 = arith.constant 0 : i32
          %dma_start3A_166 = tpu.memref_slice %arg4[%dma_start3A_157, %add3A_154, %dma_start3A_165] : memref<2x2500x128xi32, #tpu.memory_space<hbm>> -> memref<1x20x128xi32, #tpu.memory_space<hbm>>
          %dma_start3A_167 = tpu.memref_squeeze %dma_start3A_166 : memref<1x20x128xi32, #tpu.memory_space<hbm>> -> memref<20x128xi32, #tpu.memory_space<hbm>>
          tpu.enqueue_dma source(%dma_start3A_167 : memref<20x128xi32, #tpu.memory_space<hbm>>) target(%dma_start3A_164 : memref<20x128xi32, #tpu.memory_space<vmem>>) target_semaphore(%arg14 : memref<!tpu.dma_semaphore, #tpu.memory_space<semaphore_mem>>)
        } else {
        }
        %dma_start3A_115 = arith.constant 0 : i32
        %dma_start3A_116 = tpu.memref_slice %arg6[%mul3A_108, %dma_start3A_115] : memref<40x128xi32, #tpu.memory_space<vmem>> -> memref<1x128xi32, #tpu.memory_space<vmem>>
        %dma_start3A_117 = tpu.memref_squeeze %dma_start3A_116 : memref<1x128xi32, #tpu.memory_space<vmem>> -> memref<128xi32, #tpu.memory_space<vmem>>
        %dma_start3A_118 = arith.constant 0 : i32
        %dma_start3A_119 = arith.constant 0 : i32
        %dma_start3A_120 = tpu.memref_slice %arg2[%dma_start3A_118, %dma_start3A_119] : memref<10000x72xf32, #tpu.memory_space<hbm>> -> memref<10000x72xf32, #tpu.memory_space<hbm>>
        tpu.enqueue_indirect_dma source(%dma_start3A_120 : memref<10000x72xf32, #tpu.memory_space<hbm>>) target(%arg8 : memref<128x72xf32, #tpu.memory_space<vmem>>) offsets(%dma_start3A_117 : memref<128xi32, #tpu.memory_space<vmem>>) semaphore(%arg12 : memref<!tpu.dma_semaphore, #tpu.memory_space<semaphore_mem>>)
        %scan3A_121 = arith.constant 0 : i32
        %scan3A_122 = arith.constant 0 : i32
        %scan3A_123 = arith.constant 10 : i32
        %scan3A_124 = arith.addi %scan3A_122, %scan3A_123 : i32
        %scan3A_125 = arith.constant 1 : i32
        scf.for %scan3A_133 = %scan3A_122 to %scan3A_124 step %scan3A_125  : i32 {
          %mul3A_134 = arith.constant 2 : i32
          %mul3A_135 = arith.muli %mul3A_134, %scan3A_133 : i32
          %add3A_136 = arith.addi %mul3A_108, %mul3A_135 : i32
          %add3A_137 = arith.constant 1 : i32
          %add3A_138 = arith.addi %add3A_136, %add3A_137 : i32
          %dma_start3A_139 = arith.constant 0 : i32
          %dma_start3A_140 = tpu.memref_slice %arg6[%add3A_138, %dma_start3A_139] : memref<40x128xi32, #tpu.memory_space<vmem>> -> memref<1x128xi32, #tpu.memory_space<vmem>>
          %dma_start3A_141 = tpu.memref_squeeze %dma_start3A_140 : memref<1x128xi32, #tpu.memory_space<vmem>> -> memref<128xi32, #tpu.memory_space<vmem>>
          %dma_start3A_142 = arith.constant 0 : i32
          %dma_start3A_143 = arith.constant 0 : i32
          %dma_start3A_144 = tpu.memref_slice %arg2[%dma_start3A_142, %dma_start3A_143] : memref<10000x72xf32, #tpu.memory_space<hbm>> -> memref<10000x72xf32, #tpu.memory_space<hbm>>
          tpu.enqueue_indirect_dma source(%dma_start3A_144 : memref<10000x72xf32, #tpu.memory_space<hbm>>) target(%arg9 : memref<128x72xf32, #tpu.memory_space<vmem>>) offsets(%dma_start3A_141 : memref<128xi32, #tpu.memory_space<vmem>>) semaphore(%arg13 : memref<!tpu.dma_semaphore, #tpu.memory_space<semaphore_mem>>)
          %dma_wait3A_145 = arith.constant 0 : i32
          %dma_wait3A_146 = arith.constant 0 : i32
          %dma_wait3A_147 = tpu.memref_slice %arg6[%dma_wait3A_145, %dma_wait3A_146] : memref<40x128xi32, #tpu.memory_space<vmem>> -> memref<1x128xi32, #tpu.memory_space<vmem>>
          %dma_wait3A_148 = tpu.memref_squeeze %dma_wait3A_147 : memref<1x128xi32, #tpu.memory_space<vmem>> -> memref<128xi32, #tpu.memory_space<vmem>>
          %dma_wait3A_149 = arith.constant 0 : i32
          %dma_wait3A_150 = arith.constant 0 : i32
          %dma_wait3A_151 = tpu.memref_slice %arg2[%dma_wait3A_149, %dma_wait3A_150] : memref<10000x72xf32, #tpu.memory_space<hbm>> -> memref<10000x72xf32, #tpu.memory_space<hbm>>
          tpu.wait_indirect_dma semaphore(%arg12 : memref<!tpu.dma_semaphore, #tpu.memory_space<semaphore_mem>>) src(%dma_wait3A_151 : memref<10000x72xf32, #tpu.memory_space<hbm>>) dst(%arg8 : memref<128x72xf32, #tpu.memory_space<vmem>>)
          "tpu.region"() ({
            %run_scoped3A = tpu.sem_alloc : memref<!tpu.dma_semaphore, #tpu.memory_space<semaphore_mem>>
            %dma_start3A_168 = arith.constant 0 : i32
            %dma_start3A_169 = tpu.memref_slice %arg7[%add3A_136, %dma_start3A_168] : memref<40x128xi32, #tpu.memory_space<vmem>> -> memref<1x128xi32, #tpu.memory_space<vmem>>
            %dma_start3A_170 = tpu.memref_squeeze %dma_start3A_169 : memref<1x128xi32, #tpu.memory_space<vmem>> -> memref<128xi32, #tpu.memory_space<vmem>>
            %dma_start3A_171 = arith.constant 0 : i32
            %dma_start3A_172 = arith.constant 0 : i32
            %dma_start3A_173 = tpu.memref_slice %arg11[%dma_start3A_171, %dma_start3A_172] : memref<10000x72xf32, #tpu.memory_space<vmem_shared>> -> memref<10000x72xf32, #tpu.memory_space<vmem_shared>>
            tpu.enqueue_indirect_dma source(%arg8 : memref<128x72xf32, #tpu.memory_space<vmem>>) target(%dma_start3A_173 : memref<10000x72xf32, #tpu.memory_space<vmem_shared>>) offsets(%dma_start3A_170 : memref<128xi32, #tpu.memory_space<vmem>>) semaphore(%run_scoped3A : memref<!tpu.dma_semaphore, #tpu.memory_space<semaphore_mem>>) {add = true}
            %dma_wait3A_174 = arith.constant 0 : i32
            %dma_wait3A_175 = tpu.memref_slice %arg7[%add3A_136, %dma_wait3A_174] : memref<40x128xi32, #tpu.memory_space<vmem>> -> memref<1x128xi32, #tpu.memory_space<vmem>>
            %dma_wait3A_176 = tpu.memref_squeeze %dma_wait3A_175 : memref<1x128xi32, #tpu.memory_space<vmem>> -> memref<128xi32, #tpu.memory_space<vmem>>
            %dma_wait3A_177 = arith.constant 0 : i32
            %dma_wait3A_178 = arith.constant 0 : i32
            %dma_wait3A_179 = tpu.memref_slice %arg11[%dma_wait3A_177, %dma_wait3A_178] : memref<10000x72xf32, #tpu.memory_space<vmem_shared>> -> memref<10000x72xf32, #tpu.memory_space<vmem_shared>>
            tpu.wait_indirect_dma semaphore(%run_scoped3A : memref<!tpu.dma_semaphore, #tpu.memory_space<semaphore_mem>>) src(%arg8 : memref<128x72xf32, #tpu.memory_space<vmem>>) dst(%dma_wait3A_179 : memref<10000x72xf32, #tpu.memory_space<vmem_shared>>)
            tpu.yield
          }) : () -> ()
          %add3A_152 = arith.constant 1 : i32
          %add3A_153 = arith.addi %scan3A_133, %add3A_152 : i32
          %lt3A_154 = arith.constant 10 : i32
          %lt3A_155 = arith.cmpi slt, %add3A_153, %lt3A_154 : i32
          %convert_element_type3A_156 = arith.extui %lt3A_155 : i1 to i32
          %cond3A_157 = arith.constant 0 : i32
          %cond3A_158 = arith.cmpi ne, %convert_element_type3A_156, %cond3A_157 : i32
          scf.if %cond3A_158 {
            %add3A_168 = arith.constant 2 : i32
            %add3A_169 = arith.addi %add3A_136, %add3A_168 : i32
            %dma_start3A_170 = arith.constant 0 : i32
            %dma_start3A_171 = tpu.memref_slice %arg6[%add3A_169, %dma_start3A_170] : memref<40x128xi32, #tpu.memory_space<vmem>> -> memref<1x128xi32, #tpu.memory_space<vmem>>
            %dma_start3A_172 = tpu.memref_squeeze %dma_start3A_171 : memref<1x128xi32, #tpu.memory_space<vmem>> -> memref<128xi32, #tpu.memory_space<vmem>>
            %dma_start3A_173 = arith.constant 0 : i32
            %dma_start3A_174 = arith.constant 0 : i32
            %dma_start3A_175 = tpu.memref_slice %arg2[%dma_start3A_173, %dma_start3A_174] : memref<10000x72xf32, #tpu.memory_space<hbm>> -> memref<10000x72xf32, #tpu.memory_space<hbm>>
            tpu.enqueue_indirect_dma source(%dma_start3A_175 : memref<10000x72xf32, #tpu.memory_space<hbm>>) target(%arg8 : memref<128x72xf32, #tpu.memory_space<vmem>>) offsets(%dma_start3A_172 : memref<128xi32, #tpu.memory_space<vmem>>) semaphore(%arg12 : memref<!tpu.dma_semaphore, #tpu.memory_space<semaphore_mem>>)
          } else {
          }
          %add3A_159 = arith.constant 1 : i32
          %add3A_160 = arith.addi %add3A_136, %add3A_159 : i32
          %dma_wait3A_161 = arith.constant 0 : i32
          %dma_wait3A_162 = arith.constant 0 : i32
          %dma_wait3A_163 = tpu.memref_slice %arg6[%dma_wait3A_161, %dma_wait3A_162] : memref<40x128xi32, #tpu.memory_space<vmem>> -> memref<1x128xi32, #tpu.memory_space<vmem>>
          %dma_wait3A_164 = tpu.memref_squeeze %dma_wait3A_163 : memref<1x128xi32, #tpu.memory_space<vmem>> -> memref<128xi32, #tpu.memory_space<vmem>>
          %dma_wait3A_165 = arith.constant 0 : i32
          %dma_wait3A_166 = arith.constant 0 : i32
          %dma_wait3A_167 = tpu.memref_slice %arg2[%dma_wait3A_165, %dma_wait3A_166] : memref<10000x72xf32, #tpu.memory_space<hbm>> -> memref<10000x72xf32, #tpu.memory_space<hbm>>
          tpu.wait_indirect_dma semaphore(%arg13 : memref<!tpu.dma_semaphore, #tpu.memory_space<semaphore_mem>>) src(%dma_wait3A_167 : memref<10000x72xf32, #tpu.memory_space<hbm>>) dst(%arg9 : memref<128x72xf32, #tpu.memory_space<vmem>>)
          "tpu.region"() ({
            %run_scoped3A = tpu.sem_alloc : memref<!tpu.dma_semaphore, #tpu.memory_space<semaphore_mem>>
            %dma_start3A_168 = arith.constant 0 : i32
            %dma_start3A_169 = tpu.memref_slice %arg7[%add3A_160, %dma_start3A_168] : memref<40x128xi32, #tpu.memory_space<vmem>> -> memref<1x128xi32, #tpu.memory_space<vmem>>
            %dma_start3A_170 = tpu.memref_squeeze %dma_start3A_169 : memref<1x128xi32, #tpu.memory_space<vmem>> -> memref<128xi32, #tpu.memory_space<vmem>>
            %dma_start3A_171 = arith.constant 0 : i32
            %dma_start3A_172 = arith.constant 0 : i32
            %dma_start3A_173 = tpu.memref_slice %arg11[%dma_start3A_171, %dma_start3A_172] : memref<10000x72xf32, #tpu.memory_space<vmem_shared>> -> memref<10000x72xf32, #tpu.memory_space<vmem_shared>>
            tpu.enqueue_indirect_dma source(%arg9 : memref<128x72xf32, #tpu.memory_space<vmem>>) target(%dma_start3A_173 : memref<10000x72xf32, #tpu.memory_space<vmem_shared>>) offsets(%dma_start3A_170 : memref<128xi32, #tpu.memory_space<vmem>>) semaphore(%run_scoped3A : memref<!tpu.dma_semaphore, #tpu.memory_space<semaphore_mem>>) {add = true}
            %dma_wait3A_174 = arith.constant 0 : i32
            %dma_wait3A_175 = tpu.memref_slice %arg7[%add3A_160, %dma_wait3A_174] : memref<40x128xi32, #tpu.memory_space<vmem>> -> memref<1x128xi32, #tpu.memory_space<vmem>>
            %dma_wait3A_176 = tpu.memref_squeeze %dma_wait3A_175 : memref<1x128xi32, #tpu.memory_space<vmem>> -> memref<128xi32, #tpu.memory_space<vmem>>
            %dma_wait3A_177 = arith.constant 0 : i32
            %dma_wait3A_178 = arith.constant 0 : i32
            %dma_wait3A_179 = tpu.memref_slice %arg11[%dma_wait3A_177, %dma_wait3A_178] : memref<10000x72xf32, #tpu.memory_space<vmem_shared>> -> memref<10000x72xf32, #tpu.memory_space<vmem_shared>>
            tpu.wait_indirect_dma semaphore(%run_scoped3A : memref<!tpu.dma_semaphore, #tpu.memory_space<semaphore_mem>>) src(%arg9 : memref<128x72xf32, #tpu.memory_space<vmem>>) dst(%dma_wait3A_179 : memref<10000x72xf32, #tpu.memory_space<vmem_shared>>)
            tpu.yield
          }) : () -> ()
        }
        %scan3A_126 = arith.constant 10 : i32
        %add3A_127 = arith.constant 1 : i32
        %add3A_128 = arith.addi %while3A_105, %add3A_127 : i32
        %lt3A_129 = arith.cmpi slt, %add3A_128, %select_n3A : i32
        %convert_element_type3A_130 = arith.extui %lt3A_129 : i1 to i32
        %cond3A_131 = arith.constant 0 : i32
        %cond3A_132 = arith.cmpi ne, %convert_element_type3A_130, %cond3A_131 : i32
        scf.if %cond3A_132 {
          %dma_wait3A_133 = arith.constant 0 : i32
          %dma_wait3A_134 = arith.constant 0 : i32
          %dma_wait3A_135 = arith.constant 0 : i32
          %dma_wait3A_136 = tpu.memref_slice %arg6[%dma_wait3A_134, %dma_wait3A_135] : memref<40x128xi32, #tpu.memory_space<vmem>> -> memref<20x128xi32, #tpu.memory_space<vmem>>
          %dma_wait3A_137 = arith.constant 0 : i32
          %dma_wait3A_138 = arith.constant 0 : i32
          %dma_wait3A_139 = tpu.memref_slice %arg4[%dma_wait3A_133, %dma_wait3A_137, %dma_wait3A_138] : memref<2x2500x128xi32, #tpu.memory_space<hbm>> -> memref<1x20x128xi32, #tpu.memory_space<hbm>>
          %dma_wait3A_140 = tpu.memref_squeeze %dma_wait3A_139 : memref<1x20x128xi32, #tpu.memory_space<hbm>> -> memref<20x128xi32, #tpu.memory_space<hbm>>
          %dma_wait3A_141 = arith.constant 0 : i32
          %dma_wait3A_142 = arith.constant 0 : i32
          %dma_wait3A_143 = tpu.memref_slice %arg6[%dma_wait3A_141, %dma_wait3A_142] : memref<40x128xi32, #tpu.memory_space<vmem>> -> memref<20x128xi32, #tpu.memory_space<vmem>>
          %dma_wait3A_144 = arith.constant 0 : i32
          %dma_wait3A_145 = arith.constant 0 : i32
          %dma_wait3A_146 = tpu.memref_slice %arg4[%dma_wait3A_133, %dma_wait3A_144, %dma_wait3A_145] : memref<2x2500x128xi32, #tpu.memory_space<hbm>> -> memref<1x20x128xi32, #tpu.memory_space<hbm>>
          %dma_wait3A_147 = tpu.memref_squeeze %dma_wait3A_146 : memref<1x20x128xi32, #tpu.memory_space<hbm>> -> memref<20x128xi32, #tpu.memory_space<hbm>>
          tpu.wait_dma2 semaphore(%arg14 : memref<!tpu.dma_semaphore, #tpu.memory_space<semaphore_mem>>) src(%dma_wait3A_147 : memref<20x128xi32, #tpu.memory_space<hbm>>) dst(%dma_wait3A_143 : memref<20x128xi32, #tpu.memory_space<vmem>>)
          %dma_wait3A_148 = arith.constant 1 : i32
          %dma_wait3A_149 = arith.constant 0 : i32
          %dma_wait3A_150 = arith.constant 0 : i32
          %dma_wait3A_151 = tpu.memref_slice %arg7[%dma_wait3A_149, %dma_wait3A_150] : memref<40x128xi32, #tpu.memory_space<vmem>> -> memref<20x128xi32, #tpu.memory_space<vmem>>
          %dma_wait3A_152 = arith.constant 0 : i32
          %dma_wait3A_153 = arith.constant 0 : i32
          %dma_wait3A_154 = tpu.memref_slice %arg4[%dma_wait3A_148, %dma_wait3A_152, %dma_wait3A_153] : memref<2x2500x128xi32, #tpu.memory_space<hbm>> -> memref<1x20x128xi32, #tpu.memory_space<hbm>>
          %dma_wait3A_155 = tpu.memref_squeeze %dma_wait3A_154 : memref<1x20x128xi32, #tpu.memory_space<hbm>> -> memref<20x128xi32, #tpu.memory_space<hbm>>
          %dma_wait3A_156 = arith.constant 0 : i32
          %dma_wait3A_157 = arith.constant 0 : i32
          %dma_wait3A_158 = tpu.memref_slice %arg7[%dma_wait3A_156, %dma_wait3A_157] : memref<40x128xi32, #tpu.memory_space<vmem>> -> memref<20x128xi32, #tpu.memory_space<vmem>>
          %dma_wait3A_159 = arith.constant 0 : i32
          %dma_wait3A_160 = arith.constant 0 : i32
          %dma_wait3A_161 = tpu.memref_slice %arg4[%dma_wait3A_148, %dma_wait3A_159, %dma_wait3A_160] : memref<2x2500x128xi32, #tpu.memory_space<hbm>> -> memref<1x20x128xi32, #tpu.memory_space<hbm>>
          %dma_wait3A_162 = tpu.memref_squeeze %dma_wait3A_161 : memref<1x20x128xi32, #tpu.memory_space<hbm>> -> memref<20x128xi32, #tpu.memory_space<hbm>>
          tpu.wait_dma2 semaphore(%arg14 : memref<!tpu.dma_semaphore, #tpu.memory_space<semaphore_mem>>) src(%dma_wait3A_162 : memref<20x128xi32, #tpu.memory_space<hbm>>) dst(%dma_wait3A_158 : memref<20x128xi32, #tpu.memory_space<vmem>>)
        } else {
        }
      }
    } else {
    }
    %eq3A_20 = arith.constant 1 : i32
    %eq3A_21 = arith.cmpi eq, %arg0, %eq3A_20 : i32
    %convert_element_type3A_22 = arith.extui %eq3A_21 : i1 to i32
    %cond3A_23 = arith.constant 0 : i32
    %cond3A_24 = arith.cmpi ne, %convert_element_type3A_22, %cond3A_23 : i32
    scf.if %cond3A_24 {
      %eq3A_36 = arith.constant 15 : i32
      %eq3A_37 = arith.cmpi eq, %arg1, %eq3A_36 : i32
      %jit3A = arith.constant 5 : i32
      %jit3A_38 = arith.constant 8 : i32
      %select_n3A = arith.select %eq3A_37, %jit3A, %jit3A_38 : i32
      %add3A = arith.constant 0 : i32
      %add3A_39 = arith.addi %mul3A_2, %add3A : i32
      %dma_start3A = arith.constant 0 : i32
      %dma_start3A_40 = arith.constant 0 : i32
      %dma_start3A_41 = arith.constant 0 : i32
      %dma_start3A_42 = tpu.memref_slice %arg6[%dma_start3A_40, %dma_start3A_41] : memref<40x128xi32, #tpu.memory_space<vmem>> -> memref<20x128xi32, #tpu.memory_space<vmem>>
      %dma_start3A_43 = arith.constant 0 : i32
      %dma_start3A_44 = tpu.memref_slice %arg4[%dma_start3A, %add3A_39, %dma_start3A_43] : memref<2x2500x128xi32, #tpu.memory_space<hbm>> -> memref<1x20x128xi32, #tpu.memory_space<hbm>>
      %dma_start3A_45 = tpu.memref_squeeze %dma_start3A_44 : memref<1x20x128xi32, #tpu.memory_space<hbm>> -> memref<20x128xi32, #tpu.memory_space<hbm>>
      %dma_start3A_46 = arith.constant 0 : i32
      %dma_start3A_47 = arith.constant 0 : i32
      %dma_start3A_48 = tpu.memref_slice %arg6[%dma_start3A_46, %dma_start3A_47] : memref<40x128xi32, #tpu.memory_space<vmem>> -> memref<20x128xi32, #tpu.memory_space<vmem>>
      %dma_start3A_49 = arith.constant 0 : i32
      %dma_start3A_50 = tpu.memref_slice %arg4[%dma_start3A, %add3A_39, %dma_start3A_49] : memref<2x2500x128xi32, #tpu.memory_space<hbm>> -> memref<1x20x128xi32, #tpu.memory_space<hbm>>
      %dma_start3A_51 = tpu.memref_squeeze %dma_start3A_50 : memref<1x20x128xi32, #tpu.memory_space<hbm>> -> memref<20x128xi32, #tpu.memory_space<hbm>>
      tpu.enqueue_dma source(%dma_start3A_51 : memref<20x128xi32, #tpu.memory_space<hbm>>) target(%dma_start3A_48 : memref<20x128xi32, #tpu.memory_space<vmem>>) target_semaphore(%arg14 : memref<!tpu.dma_semaphore, #tpu.memory_space<semaphore_mem>>)
      %add3A_52 = arith.constant 0 : i32
      %add3A_53 = arith.addi %mul3A_2, %add3A_52 : i32
      %dma_start3A_54 = arith.constant 1 : i32
      %dma_start3A_55 = arith.constant 0 : i32
      %dma_start3A_56 = arith.constant 0 : i32
      %dma_start3A_57 = tpu.memref_slice %arg7[%dma_start3A_55, %dma_start3A_56] : memref<40x128xi32, #tpu.memory_space<vmem>> -> memref<20x128xi32, #tpu.memory_space<vmem>>
      %dma_start3A_58 = arith.constant 0 : i32
      %dma_start3A_59 = tpu.memref_slice %arg4[%dma_start3A_54, %add3A_53, %dma_start3A_58] : memref<2x2500x128xi32, #tpu.memory_space<hbm>> -> memref<1x20x128xi32, #tpu.memory_space<hbm>>
      %dma_start3A_60 = tpu.memref_squeeze %dma_start3A_59 : memref<1x20x128xi32, #tpu.memory_space<hbm>> -> memref<20x128xi32, #tpu.memory_space<hbm>>
      %dma_start3A_61 = arith.constant 0 : i32
      %dma_start3A_62 = arith.constant 0 : i32
      %dma_start3A_63 = tpu.memref_slice %arg7[%dma_start3A_61, %dma_start3A_62] : memref<40x128xi32, #tpu.memory_space<vmem>> -> memref<20x128xi32, #tpu.memory_space<vmem>>
      %dma_start3A_64 = arith.constant 0 : i32
      %dma_start3A_65 = tpu.memref_slice %arg4[%dma_start3A_54, %add3A_53, %dma_start3A_64] : memref<2x2500x128xi32, #tpu.memory_space<hbm>> -> memref<1x20x128xi32, #tpu.memory_space<hbm>>
      %dma_start3A_66 = tpu.memref_squeeze %dma_start3A_65 : memref<1x20x128xi32, #tpu.memory_space<hbm>> -> memref<20x128xi32, #tpu.memory_space<hbm>>
      tpu.enqueue_dma source(%dma_start3A_66 : memref<20x128xi32, #tpu.memory_space<hbm>>) target(%dma_start3A_63 : memref<20x128xi32, #tpu.memory_space<vmem>>) target_semaphore(%arg14 : memref<!tpu.dma_semaphore, #tpu.memory_space<semaphore_mem>>)
      %dma_wait3A = arith.constant 0 : i32
      %dma_wait3A_67 = arith.constant 0 : i32
      %dma_wait3A_68 = arith.constant 0 : i32
      %dma_wait3A_69 = tpu.memref_slice %arg6[%dma_wait3A_67, %dma_wait3A_68] : memref<40x128xi32, #tpu.memory_space<vmem>> -> memref<20x128xi32, #tpu.memory_space<vmem>>
      %dma_wait3A_70 = arith.constant 0 : i32
      %dma_wait3A_71 = arith.constant 0 : i32
      %dma_wait3A_72 = tpu.memref_slice %arg4[%dma_wait3A, %dma_wait3A_70, %dma_wait3A_71] : memref<2x2500x128xi32, #tpu.memory_space<hbm>> -> memref<1x20x128xi32, #tpu.memory_space<hbm>>
      %dma_wait3A_73 = tpu.memref_squeeze %dma_wait3A_72 : memref<1x20x128xi32, #tpu.memory_space<hbm>> -> memref<20x128xi32, #tpu.memory_space<hbm>>
      %dma_wait3A_74 = arith.constant 0 : i32
      %dma_wait3A_75 = arith.constant 0 : i32
      %dma_wait3A_76 = tpu.memref_slice %arg6[%dma_wait3A_74, %dma_wait3A_75] : memref<40x128xi32, #tpu.memory_space<vmem>> -> memref<20x128xi32, #tpu.memory_space<vmem>>
      %dma_wait3A_77 = arith.constant 0 : i32
      %dma_wait3A_78 = arith.constant 0 : i32
      %dma_wait3A_79 = tpu.memref_slice %arg4[%dma_wait3A, %dma_wait3A_77, %dma_wait3A_78] : memref<2x2500x128xi32, #tpu.memory_space<hbm>> -> memref<1x20x128xi32, #tpu.memory_space<hbm>>
      %dma_wait3A_80 = tpu.memref_squeeze %dma_wait3A_79 : memref<1x20x128xi32, #tpu.memory_space<hbm>> -> memref<20x128xi32, #tpu.memory_space<hbm>>
      tpu.wait_dma2 semaphore(%arg14 : memref<!tpu.dma_semaphore, #tpu.memory_space<semaphore_mem>>) src(%dma_wait3A_80 : memref<20x128xi32, #tpu.memory_space<hbm>>) dst(%dma_wait3A_76 : memref<20x128xi32, #tpu.memory_space<vmem>>)
      %dma_wait3A_81 = arith.constant 1 : i32
      %dma_wait3A_82 = arith.constant 0 : i32
      %dma_wait3A_83 = arith.constant 0 : i32
      %dma_wait3A_84 = tpu.memref_slice %arg7[%dma_wait3A_82, %dma_wait3A_83] : memref<40x128xi32, #tpu.memory_space<vmem>> -> memref<20x128xi32, #tpu.memory_space<vmem>>
      %dma_wait3A_85 = arith.constant 0 : i32
      %dma_wait3A_86 = arith.constant 0 : i32
      %dma_wait3A_87 = tpu.memref_slice %arg4[%dma_wait3A_81, %dma_wait3A_85, %dma_wait3A_86] : memref<2x2500x128xi32, #tpu.memory_space<hbm>> -> memref<1x20x128xi32, #tpu.memory_space<hbm>>
      %dma_wait3A_88 = tpu.memref_squeeze %dma_wait3A_87 : memref<1x20x128xi32, #tpu.memory_space<hbm>> -> memref<20x128xi32, #tpu.memory_space<hbm>>
      %dma_wait3A_89 = arith.constant 0 : i32
      %dma_wait3A_90 = arith.constant 0 : i32
      %dma_wait3A_91 = tpu.memref_slice %arg7[%dma_wait3A_89, %dma_wait3A_90] : memref<40x128xi32, #tpu.memory_space<vmem>> -> memref<20x128xi32, #tpu.memory_space<vmem>>
      %dma_wait3A_92 = arith.constant 0 : i32
      %dma_wait3A_93 = arith.constant 0 : i32
      %dma_wait3A_94 = tpu.memref_slice %arg4[%dma_wait3A_81, %dma_wait3A_92, %dma_wait3A_93] : memref<2x2500x128xi32, #tpu.memory_space<hbm>> -> memref<1x20x128xi32, #tpu.memory_space<hbm>>
      %dma_wait3A_95 = tpu.memref_squeeze %dma_wait3A_94 : memref<1x20x128xi32, #tpu.memory_space<hbm>> -> memref<20x128xi32, #tpu.memory_space<hbm>>
      tpu.wait_dma2 semaphore(%arg14 : memref<!tpu.dma_semaphore, #tpu.memory_space<semaphore_mem>>) src(%dma_wait3A_95 : memref<20x128xi32, #tpu.memory_space<hbm>>) dst(%dma_wait3A_91 : memref<20x128xi32, #tpu.memory_space<vmem>>)
      %while3A = arith.constant 0 : i32
      %while3A_96 = arith.constant 0 : i32
      %while3A_97 = arith.subi %select_n3A, %while3A_96 : i32
      %while3A_98 = arith.addi %while3A_96, %while3A_97 : i32
      %while3A_99 = arith.constant 1 : i32
      %while3A_100 = arith.divsi %while3A_97, %while3A_99 : i32
      %while3A_101 = arith.muli %while3A_100, %while3A_99 : i32
      %while3A_102 = arith.addi %while3A_96, %while3A_101 : i32
      %while3A_103 = arith.constant 1 : i32
      scf.for %while3A_105 = %while3A_96 to %while3A_102 step %while3A_103  : i32 {
        %rem3A = arith.constant 2 : i32
        %rem3A_106 = arith.remsi %while3A_105, %rem3A : i32
        %mul3A_107 = arith.constant 20 : i32
        %mul3A_108 = arith.muli %rem3A_106, %mul3A_107 : i32
        %add3A_109 = arith.constant 1 : i32
        %add3A_110 = arith.addi %while3A_105, %add3A_109 : i32
        %lt3A_111 = arith.cmpi slt, %add3A_110, %select_n3A : i32
        %convert_element_type3A_112 = arith.extui %lt3A_111 : i1 to i32
        %cond3A_113 = arith.constant 0 : i32
        %cond3A_114 = arith.cmpi ne, %convert_element_type3A_112, %cond3A_113 : i32
        scf.if %cond3A_114 {
          %add3A_133 = arith.constant 1 : i32
          %add3A_134 = arith.addi %while3A_105, %add3A_133 : i32
          %sub3A = arith.constant 1 : i32
          %sub3A_135 = arith.subi %sub3A, %rem3A_106 : i32
          %mul3A_136 = arith.constant 20 : i32
          %mul3A_137 = arith.muli %add3A_134, %mul3A_136 : i32
          %add3A_138 = arith.addi %mul3A_2, %mul3A_137 : i32
          %mul3A_139 = arith.constant 20 : i32
          %mul3A_140 = arith.muli %sub3A_135, %mul3A_139 : i32
          %dma_start3A_141 = arith.constant 0 : i32
          %dma_start3A_142 = arith.constant 0 : i32
          %dma_start3A_143 = tpu.memref_slice %arg6[%mul3A_140, %dma_start3A_142] : memref<40x128xi32, #tpu.memory_space<vmem>> -> memref<20x128xi32, #tpu.memory_space<vmem>>
          %dma_start3A_144 = arith.constant 0 : i32
          %dma_start3A_145 = tpu.memref_slice %arg4[%dma_start3A_141, %add3A_138, %dma_start3A_144] : memref<2x2500x128xi32, #tpu.memory_space<hbm>> -> memref<1x20x128xi32, #tpu.memory_space<hbm>>
          %dma_start3A_146 = tpu.memref_squeeze %dma_start3A_145 : memref<1x20x128xi32, #tpu.memory_space<hbm>> -> memref<20x128xi32, #tpu.memory_space<hbm>>
          %dma_start3A_147 = arith.constant 0 : i32
          %dma_start3A_148 = tpu.memref_slice %arg6[%mul3A_140, %dma_start3A_147] : memref<40x128xi32, #tpu.memory_space<vmem>> -> memref<20x128xi32, #tpu.memory_space<vmem>>
          %dma_start3A_149 = arith.constant 0 : i32
          %dma_start3A_150 = tpu.memref_slice %arg4[%dma_start3A_141, %add3A_138, %dma_start3A_149] : memref<2x2500x128xi32, #tpu.memory_space<hbm>> -> memref<1x20x128xi32, #tpu.memory_space<hbm>>
          %dma_start3A_151 = tpu.memref_squeeze %dma_start3A_150 : memref<1x20x128xi32, #tpu.memory_space<hbm>> -> memref<20x128xi32, #tpu.memory_space<hbm>>
          tpu.enqueue_dma source(%dma_start3A_151 : memref<20x128xi32, #tpu.memory_space<hbm>>) target(%dma_start3A_148 : memref<20x128xi32, #tpu.memory_space<vmem>>) target_semaphore(%arg14 : memref<!tpu.dma_semaphore, #tpu.memory_space<semaphore_mem>>)
          %mul3A_152 = arith.constant 20 : i32
          %mul3A_153 = arith.muli %add3A_134, %mul3A_152 : i32
          %add3A_154 = arith.addi %mul3A_2, %mul3A_153 : i32
          %mul3A_155 = arith.constant 20 : i32
          %mul3A_156 = arith.muli %sub3A_135, %mul3A_155 : i32
          %dma_start3A_157 = arith.constant 1 : i32
          %dma_start3A_158 = arith.constant 0 : i32
          %dma_start3A_159 = tpu.memref_slice %arg7[%mul3A_156, %dma_start3A_158] : memref<40x128xi32, #tpu.memory_space<vmem>> -> memref<20x128xi32, #tpu.memory_space<vmem>>
          %dma_start3A_160 = arith.constant 0 : i32
          %dma_start3A_161 = tpu.memref_slice %arg4[%dma_start3A_157, %add3A_154, %dma_start3A_160] : memref<2x2500x128xi32, #tpu.memory_space<hbm>> -> memref<1x20x128xi32, #tpu.memory_space<hbm>>
          %dma_start3A_162 = tpu.memref_squeeze %dma_start3A_161 : memref<1x20x128xi32, #tpu.memory_space<hbm>> -> memref<20x128xi32, #tpu.memory_space<hbm>>
          %dma_start3A_163 = arith.constant 0 : i32
          %dma_start3A_164 = tpu.memref_slice %arg7[%mul3A_156, %dma_start3A_163] : memref<40x128xi32, #tpu.memory_space<vmem>> -> memref<20x128xi32, #tpu.memory_space<vmem>>
          %dma_start3A_165 = arith.constant 0 : i32
          %dma_start3A_166 = tpu.memref_slice %arg4[%dma_start3A_157, %add3A_154, %dma_start3A_165] : memref<2x2500x128xi32, #tpu.memory_space<hbm>> -> memref<1x20x128xi32, #tpu.memory_space<hbm>>
          %dma_start3A_167 = tpu.memref_squeeze %dma_start3A_166 : memref<1x20x128xi32, #tpu.memory_space<hbm>> -> memref<20x128xi32, #tpu.memory_space<hbm>>
          tpu.enqueue_dma source(%dma_start3A_167 : memref<20x128xi32, #tpu.memory_space<hbm>>) target(%dma_start3A_164 : memref<20x128xi32, #tpu.memory_space<vmem>>) target_semaphore(%arg14 : memref<!tpu.dma_semaphore, #tpu.memory_space<semaphore_mem>>)
        } else {
        }
        %dma_start3A_115 = arith.constant 0 : i32
        %dma_start3A_116 = tpu.memref_slice %arg6[%mul3A_108, %dma_start3A_115] : memref<40x128xi32, #tpu.memory_space<vmem>> -> memref<1x128xi32, #tpu.memory_space<vmem>>
        %dma_start3A_117 = tpu.memref_squeeze %dma_start3A_116 : memref<1x128xi32, #tpu.memory_space<vmem>> -> memref<128xi32, #tpu.memory_space<vmem>>
        %dma_start3A_118 = arith.constant 0 : i32
        %dma_start3A_119 = arith.constant 0 : i32
        %dma_start3A_120 = tpu.memref_slice %arg3[%dma_start3A_118, %dma_start3A_119] : memref<10000x72xf32, #tpu.memory_space<hbm>> -> memref<10000x72xf32, #tpu.memory_space<hbm>>
        tpu.enqueue_indirect_dma source(%dma_start3A_120 : memref<10000x72xf32, #tpu.memory_space<hbm>>) target(%arg8 : memref<128x72xf32, #tpu.memory_space<vmem>>) offsets(%dma_start3A_117 : memref<128xi32, #tpu.memory_space<vmem>>) semaphore(%arg12 : memref<!tpu.dma_semaphore, #tpu.memory_space<semaphore_mem>>)
        %scan3A_121 = arith.constant 0 : i32
        %scan3A_122 = arith.constant 0 : i32
        %scan3A_123 = arith.constant 10 : i32
        %scan3A_124 = arith.addi %scan3A_122, %scan3A_123 : i32
        %scan3A_125 = arith.constant 1 : i32
        scf.for %scan3A_133 = %scan3A_122 to %scan3A_124 step %scan3A_125  : i32 {
          %mul3A_134 = arith.constant 2 : i32
          %mul3A_135 = arith.muli %mul3A_134, %scan3A_133 : i32
          %add3A_136 = arith.addi %mul3A_108, %mul3A_135 : i32
          %add3A_137 = arith.constant 1 : i32
          %add3A_138 = arith.addi %add3A_136, %add3A_137 : i32
          %dma_start3A_139 = arith.constant 0 : i32
          %dma_start3A_140 = tpu.memref_slice %arg6[%add3A_138, %dma_start3A_139] : memref<40x128xi32, #tpu.memory_space<vmem>> -> memref<1x128xi32, #tpu.memory_space<vmem>>
          %dma_start3A_141 = tpu.memref_squeeze %dma_start3A_140 : memref<1x128xi32, #tpu.memory_space<vmem>> -> memref<128xi32, #tpu.memory_space<vmem>>
          %dma_start3A_142 = arith.constant 0 : i32
          %dma_start3A_143 = arith.constant 0 : i32
          %dma_start3A_144 = tpu.memref_slice %arg3[%dma_start3A_142, %dma_start3A_143] : memref<10000x72xf32, #tpu.memory_space<hbm>> -> memref<10000x72xf32, #tpu.memory_space<hbm>>
          tpu.enqueue_indirect_dma source(%dma_start3A_144 : memref<10000x72xf32, #tpu.memory_space<hbm>>) target(%arg9 : memref<128x72xf32, #tpu.memory_space<vmem>>) offsets(%dma_start3A_141 : memref<128xi32, #tpu.memory_space<vmem>>) semaphore(%arg13 : memref<!tpu.dma_semaphore, #tpu.memory_space<semaphore_mem>>)
          %dma_wait3A_145 = arith.constant 0 : i32
          %dma_wait3A_146 = arith.constant 0 : i32
          %dma_wait3A_147 = tpu.memref_slice %arg6[%dma_wait3A_145, %dma_wait3A_146] : memref<40x128xi32, #tpu.memory_space<vmem>> -> memref<1x128xi32, #tpu.memory_space<vmem>>
          %dma_wait3A_148 = tpu.memref_squeeze %dma_wait3A_147 : memref<1x128xi32, #tpu.memory_space<vmem>> -> memref<128xi32, #tpu.memory_space<vmem>>
          %dma_wait3A_149 = arith.constant 0 : i32
          %dma_wait3A_150 = arith.constant 0 : i32
          %dma_wait3A_151 = tpu.memref_slice %arg3[%dma_wait3A_149, %dma_wait3A_150] : memref<10000x72xf32, #tpu.memory_space<hbm>> -> memref<10000x72xf32, #tpu.memory_space<hbm>>
          tpu.wait_indirect_dma semaphore(%arg12 : memref<!tpu.dma_semaphore, #tpu.memory_space<semaphore_mem>>) src(%dma_wait3A_151 : memref<10000x72xf32, #tpu.memory_space<hbm>>) dst(%arg8 : memref<128x72xf32, #tpu.memory_space<vmem>>)
          "tpu.region"() ({
            %run_scoped3A = tpu.sem_alloc : memref<!tpu.dma_semaphore, #tpu.memory_space<semaphore_mem>>
            %dma_start3A_168 = arith.constant 0 : i32
            %dma_start3A_169 = tpu.memref_slice %arg7[%add3A_136, %dma_start3A_168] : memref<40x128xi32, #tpu.memory_space<vmem>> -> memref<1x128xi32, #tpu.memory_space<vmem>>
            %dma_start3A_170 = tpu.memref_squeeze %dma_start3A_169 : memref<1x128xi32, #tpu.memory_space<vmem>> -> memref<128xi32, #tpu.memory_space<vmem>>
            %dma_start3A_171 = arith.constant 0 : i32
            %dma_start3A_172 = arith.constant 0 : i32
            %dma_start3A_173 = tpu.memref_slice %arg11[%dma_start3A_171, %dma_start3A_172] : memref<10000x72xf32, #tpu.memory_space<vmem_shared>> -> memref<10000x72xf32, #tpu.memory_space<vmem_shared>>
            tpu.enqueue_indirect_dma source(%arg8 : memref<128x72xf32, #tpu.memory_space<vmem>>) target(%dma_start3A_173 : memref<10000x72xf32, #tpu.memory_space<vmem_shared>>) offsets(%dma_start3A_170 : memref<128xi32, #tpu.memory_space<vmem>>) semaphore(%run_scoped3A : memref<!tpu.dma_semaphore, #tpu.memory_space<semaphore_mem>>) {add = true}
            %dma_wait3A_174 = arith.constant 0 : i32
            %dma_wait3A_175 = tpu.memref_slice %arg7[%add3A_136, %dma_wait3A_174] : memref<40x128xi32, #tpu.memory_space<vmem>> -> memref<1x128xi32, #tpu.memory_space<vmem>>
            %dma_wait3A_176 = tpu.memref_squeeze %dma_wait3A_175 : memref<1x128xi32, #tpu.memory_space<vmem>> -> memref<128xi32, #tpu.memory_space<vmem>>
            %dma_wait3A_177 = arith.constant 0 : i32
            %dma_wait3A_178 = arith.constant 0 : i32
            %dma_wait3A_179 = tpu.memref_slice %arg11[%dma_wait3A_177, %dma_wait3A_178] : memref<10000x72xf32, #tpu.memory_space<vmem_shared>> -> memref<10000x72xf32, #tpu.memory_space<vmem_shared>>
            tpu.wait_indirect_dma semaphore(%run_scoped3A : memref<!tpu.dma_semaphore, #tpu.memory_space<semaphore_mem>>) src(%arg8 : memref<128x72xf32, #tpu.memory_space<vmem>>) dst(%dma_wait3A_179 : memref<10000x72xf32, #tpu.memory_space<vmem_shared>>)
            tpu.yield
          }) : () -> ()
          %add3A_152 = arith.constant 1 : i32
          %add3A_153 = arith.addi %scan3A_133, %add3A_152 : i32
          %lt3A_154 = arith.constant 10 : i32
          %lt3A_155 = arith.cmpi slt, %add3A_153, %lt3A_154 : i32
          %convert_element_type3A_156 = arith.extui %lt3A_155 : i1 to i32
          %cond3A_157 = arith.constant 0 : i32
          %cond3A_158 = arith.cmpi ne, %convert_element_type3A_156, %cond3A_157 : i32
          scf.if %cond3A_158 {
            %add3A_168 = arith.constant 2 : i32
            %add3A_169 = arith.addi %add3A_136, %add3A_168 : i32
            %dma_start3A_170 = arith.constant 0 : i32
            %dma_start3A_171 = tpu.memref_slice %arg6[%add3A_169, %dma_start3A_170] : memref<40x128xi32, #tpu.memory_space<vmem>> -> memref<1x128xi32, #tpu.memory_space<vmem>>
            %dma_start3A_172 = tpu.memref_squeeze %dma_start3A_171 : memref<1x128xi32, #tpu.memory_space<vmem>> -> memref<128xi32, #tpu.memory_space<vmem>>
            %dma_start3A_173 = arith.constant 0 : i32
            %dma_start3A_174 = arith.constant 0 : i32
            %dma_start3A_175 = tpu.memref_slice %arg3[%dma_start3A_173, %dma_start3A_174] : memref<10000x72xf32, #tpu.memory_space<hbm>> -> memref<10000x72xf32, #tpu.memory_space<hbm>>
            tpu.enqueue_indirect_dma source(%dma_start3A_175 : memref<10000x72xf32, #tpu.memory_space<hbm>>) target(%arg8 : memref<128x72xf32, #tpu.memory_space<vmem>>) offsets(%dma_start3A_172 : memref<128xi32, #tpu.memory_space<vmem>>) semaphore(%arg12 : memref<!tpu.dma_semaphore, #tpu.memory_space<semaphore_mem>>)
          } else {
          }
          %add3A_159 = arith.constant 1 : i32
          %add3A_160 = arith.addi %add3A_136, %add3A_159 : i32
          %dma_wait3A_161 = arith.constant 0 : i32
          %dma_wait3A_162 = arith.constant 0 : i32
          %dma_wait3A_163 = tpu.memref_slice %arg6[%dma_wait3A_161, %dma_wait3A_162] : memref<40x128xi32, #tpu.memory_space<vmem>> -> memref<1x128xi32, #tpu.memory_space<vmem>>
          %dma_wait3A_164 = tpu.memref_squeeze %dma_wait3A_163 : memref<1x128xi32, #tpu.memory_space<vmem>> -> memref<128xi32, #tpu.memory_space<vmem>>
          %dma_wait3A_165 = arith.constant 0 : i32
          %dma_wait3A_166 = arith.constant 0 : i32
          %dma_wait3A_167 = tpu.memref_slice %arg3[%dma_wait3A_165, %dma_wait3A_166] : memref<10000x72xf32, #tpu.memory_space<hbm>> -> memref<10000x72xf32, #tpu.memory_space<hbm>>
          tpu.wait_indirect_dma semaphore(%arg13 : memref<!tpu.dma_semaphore, #tpu.memory_space<semaphore_mem>>) src(%dma_wait3A_167 : memref<10000x72xf32, #tpu.memory_space<hbm>>) dst(%arg9 : memref<128x72xf32, #tpu.memory_space<vmem>>)
          "tpu.region"() ({
            %run_scoped3A = tpu.sem_alloc : memref<!tpu.dma_semaphore, #tpu.memory_space<semaphore_mem>>
            %dma_start3A_168 = arith.constant 0 : i32
            %dma_start3A_169 = tpu.memref_slice %arg7[%add3A_160, %dma_start3A_168] : memref<40x128xi32, #tpu.memory_space<vmem>> -> memref<1x128xi32, #tpu.memory_space<vmem>>
            %dma_start3A_170 = tpu.memref_squeeze %dma_start3A_169 : memref<1x128xi32, #tpu.memory_space<vmem>> -> memref<128xi32, #tpu.memory_space<vmem>>
            %dma_start3A_171 = arith.constant 0 : i32
            %dma_start3A_172 = arith.constant 0 : i32
            %dma_start3A_173 = tpu.memref_slice %arg11[%dma_start3A_171, %dma_start3A_172] : memref<10000x72xf32, #tpu.memory_space<vmem_shared>> -> memref<10000x72xf32, #tpu.memory_space<vmem_shared>>
            tpu.enqueue_indirect_dma source(%arg9 : memref<128x72xf32, #tpu.memory_space<vmem>>) target(%dma_start3A_173 : memref<10000x72xf32, #tpu.memory_space<vmem_shared>>) offsets(%dma_start3A_170 : memref<128xi32, #tpu.memory_space<vmem>>) semaphore(%run_scoped3A : memref<!tpu.dma_semaphore, #tpu.memory_space<semaphore_mem>>) {add = true}
            %dma_wait3A_174 = arith.constant 0 : i32
            %dma_wait3A_175 = tpu.memref_slice %arg7[%add3A_160, %dma_wait3A_174] : memref<40x128xi32, #tpu.memory_space<vmem>> -> memref<1x128xi32, #tpu.memory_space<vmem>>
            %dma_wait3A_176 = tpu.memref_squeeze %dma_wait3A_175 : memref<1x128xi32, #tpu.memory_space<vmem>> -> memref<128xi32, #tpu.memory_space<vmem>>
            %dma_wait3A_177 = arith.constant 0 : i32
            %dma_wait3A_178 = arith.constant 0 : i32
            %dma_wait3A_179 = tpu.memref_slice %arg11[%dma_wait3A_177, %dma_wait3A_178] : memref<10000x72xf32, #tpu.memory_space<vmem_shared>> -> memref<10000x72xf32, #tpu.memory_space<vmem_shared>>
            tpu.wait_indirect_dma semaphore(%run_scoped3A : memref<!tpu.dma_semaphore, #tpu.memory_space<semaphore_mem>>) src(%arg9 : memref<128x72xf32, #tpu.memory_space<vmem>>) dst(%dma_wait3A_179 : memref<10000x72xf32, #tpu.memory_space<vmem_shared>>)
            tpu.yield
          }) : () -> ()
        }
        %scan3A_126 = arith.constant 10 : i32
        %add3A_127 = arith.constant 1 : i32
        %add3A_128 = arith.addi %while3A_105, %add3A_127 : i32
        %lt3A_129 = arith.cmpi slt, %add3A_128, %select_n3A : i32
        %convert_element_type3A_130 = arith.extui %lt3A_129 : i1 to i32
        %cond3A_131 = arith.constant 0 : i32
        %cond3A_132 = arith.cmpi ne, %convert_element_type3A_130, %cond3A_131 : i32
        scf.if %cond3A_132 {
          %dma_wait3A_133 = arith.constant 0 : i32
          %dma_wait3A_134 = arith.constant 0 : i32
          %dma_wait3A_135 = arith.constant 0 : i32
          %dma_wait3A_136 = tpu.memref_slice %arg6[%dma_wait3A_134, %dma_wait3A_135] : memref<40x128xi32, #tpu.memory_space<vmem>> -> memref<20x128xi32, #tpu.memory_space<vmem>>
          %dma_wait3A_137 = arith.constant 0 : i32
          %dma_wait3A_138 = arith.constant 0 : i32
          %dma_wait3A_139 = tpu.memref_slice %arg4[%dma_wait3A_133, %dma_wait3A_137, %dma_wait3A_138] : memref<2x2500x128xi32, #tpu.memory_space<hbm>> -> memref<1x20x128xi32, #tpu.memory_space<hbm>>
          %dma_wait3A_140 = tpu.memref_squeeze %dma_wait3A_139 : memref<1x20x128xi32, #tpu.memory_space<hbm>> -> memref<20x128xi32, #tpu.memory_space<hbm>>
          %dma_wait3A_141 = arith.constant 0 : i32
          %dma_wait3A_142 = arith.constant 0 : i32
          %dma_wait3A_143 = tpu.memref_slice %arg6[%dma_wait3A_141, %dma_wait3A_142] : memref<40x128xi32, #tpu.memory_space<vmem>> -> memref<20x128xi32, #tpu.memory_space<vmem>>
          %dma_wait3A_144 = arith.constant 0 : i32
          %dma_wait3A_145 = arith.constant 0 : i32
          %dma_wait3A_146 = tpu.memref_slice %arg4[%dma_wait3A_133, %dma_wait3A_144, %dma_wait3A_145] : memref<2x2500x128xi32, #tpu.memory_space<hbm>> -> memref<1x20x128xi32, #tpu.memory_space<hbm>>
          %dma_wait3A_147 = tpu.memref_squeeze %dma_wait3A_146 : memref<1x20x128xi32, #tpu.memory_space<hbm>> -> memref<20x128xi32, #tpu.memory_space<hbm>>
          tpu.wait_dma2 semaphore(%arg14 : memref<!tpu.dma_semaphore, #tpu.memory_space<semaphore_mem>>) src(%dma_wait3A_147 : memref<20x128xi32, #tpu.memory_space<hbm>>) dst(%dma_wait3A_143 : memref<20x128xi32, #tpu.memory_space<vmem>>)
          %dma_wait3A_148 = arith.constant 1 : i32
          %dma_wait3A_149 = arith.constant 0 : i32
          %dma_wait3A_150 = arith.constant 0 : i32
          %dma_wait3A_151 = tpu.memref_slice %arg7[%dma_wait3A_149, %dma_wait3A_150] : memref<40x128xi32, #tpu.memory_space<vmem>> -> memref<20x128xi32, #tpu.memory_space<vmem>>
          %dma_wait3A_152 = arith.constant 0 : i32
          %dma_wait3A_153 = arith.constant 0 : i32
          %dma_wait3A_154 = tpu.memref_slice %arg4[%dma_wait3A_148, %dma_wait3A_152, %dma_wait3A_153] : memref<2x2500x128xi32, #tpu.memory_space<hbm>> -> memref<1x20x128xi32, #tpu.memory_space<hbm>>
          %dma_wait3A_155 = tpu.memref_squeeze %dma_wait3A_154 : memref<1x20x128xi32, #tpu.memory_space<hbm>> -> memref<20x128xi32, #tpu.memory_space<hbm>>
          %dma_wait3A_156 = arith.constant 0 : i32
          %dma_wait3A_157 = arith.constant 0 : i32
          %dma_wait3A_158 = tpu.memref_slice %arg7[%dma_wait3A_156, %dma_wait3A_157] : memref<40x128xi32, #tpu.memory_space<vmem>> -> memref<20x128xi32, #tpu.memory_space<vmem>>
          %dma_wait3A_159 = arith.constant 0 : i32
          %dma_wait3A_160 = arith.constant 0 : i32
          %dma_wait3A_161 = tpu.memref_slice %arg4[%dma_wait3A_148, %dma_wait3A_159, %dma_wait3A_160] : memref<2x2500x128xi32, #tpu.memory_space<hbm>> -> memref<1x20x128xi32, #tpu.memory_space<hbm>>
          %dma_wait3A_162 = tpu.memref_squeeze %dma_wait3A_161 : memref<1x20x128xi32, #tpu.memory_space<hbm>> -> memref<20x128xi32, #tpu.memory_space<hbm>>
          tpu.wait_dma2 semaphore(%arg14 : memref<!tpu.dma_semaphore, #tpu.memory_space<semaphore_mem>>) src(%dma_wait3A_162 : memref<20x128xi32, #tpu.memory_space<hbm>>) dst(%dma_wait3A_158 : memref<20x128xi32, #tpu.memory_space<vmem>>)
        } else {
        }
      }
      %while3A_104 = arith.constant 1 : i32
      scf.for %while3A_105 = %while3A_102 to %while3A_98 step %while3A_104  : i32 {
        %rem3A = arith.constant 2 : i32
        %rem3A_106 = arith.remsi %while3A_105, %rem3A : i32
        %mul3A_107 = arith.constant 20 : i32
        %mul3A_108 = arith.muli %rem3A_106, %mul3A_107 : i32
        %add3A_109 = arith.constant 1 : i32
        %add3A_110 = arith.addi %while3A_105, %add3A_109 : i32
        %lt3A_111 = arith.cmpi slt, %add3A_110, %select_n3A : i32
        %convert_element_type3A_112 = arith.extui %lt3A_111 : i1 to i32
        %cond3A_113 = arith.constant 0 : i32
        %cond3A_114 = arith.cmpi ne, %convert_element_type3A_112, %cond3A_113 : i32
        scf.if %cond3A_114 {
          %add3A_133 = arith.constant 1 : i32
          %add3A_134 = arith.addi %while3A_105, %add3A_133 : i32
          %sub3A = arith.constant 1 : i32
          %sub3A_135 = arith.subi %sub3A, %rem3A_106 : i32
          %mul3A_136 = arith.constant 20 : i32
          %mul3A_137 = arith.muli %add3A_134, %mul3A_136 : i32
          %add3A_138 = arith.addi %mul3A_2, %mul3A_137 : i32
          %mul3A_139 = arith.constant 20 : i32
          %mul3A_140 = arith.muli %sub3A_135, %mul3A_139 : i32
          %dma_start3A_141 = arith.constant 0 : i32
          %dma_start3A_142 = arith.constant 0 : i32
          %dma_start3A_143 = tpu.memref_slice %arg6[%mul3A_140, %dma_start3A_142] : memref<40x128xi32, #tpu.memory_space<vmem>> -> memref<20x128xi32, #tpu.memory_space<vmem>>
          %dma_start3A_144 = arith.constant 0 : i32
          %dma_start3A_145 = tpu.memref_slice %arg4[%dma_start3A_141, %add3A_138, %dma_start3A_144] : memref<2x2500x128xi32, #tpu.memory_space<hbm>> -> memref<1x20x128xi32, #tpu.memory_space<hbm>>
          %dma_start3A_146 = tpu.memref_squeeze %dma_start3A_145 : memref<1x20x128xi32, #tpu.memory_space<hbm>> -> memref<20x128xi32, #tpu.memory_space<hbm>>
          %dma_start3A_147 = arith.constant 0 : i32
          %dma_start3A_148 = tpu.memref_slice %arg6[%mul3A_140, %dma_start3A_147] : memref<40x128xi32, #tpu.memory_space<vmem>> -> memref<20x128xi32, #tpu.memory_space<vmem>>
          %dma_start3A_149 = arith.constant 0 : i32
          %dma_start3A_150 = tpu.memref_slice %arg4[%dma_start3A_141, %add3A_138, %dma_start3A_149] : memref<2x2500x128xi32, #tpu.memory_space<hbm>> -> memref<1x20x128xi32, #tpu.memory_space<hbm>>
          %dma_start3A_151 = tpu.memref_squeeze %dma_start3A_150 : memref<1x20x128xi32, #tpu.memory_space<hbm>> -> memref<20x128xi32, #tpu.memory_space<hbm>>
          tpu.enqueue_dma source(%dma_start3A_151 : memref<20x128xi32, #tpu.memory_space<hbm>>) target(%dma_start3A_148 : memref<20x128xi32, #tpu.memory_space<vmem>>) target_semaphore(%arg14 : memref<!tpu.dma_semaphore, #tpu.memory_space<semaphore_mem>>)
          %mul3A_152 = arith.constant 20 : i32
          %mul3A_153 = arith.muli %add3A_134, %mul3A_152 : i32
          %add3A_154 = arith.addi %mul3A_2, %mul3A_153 : i32
          %mul3A_155 = arith.constant 20 : i32
          %mul3A_156 = arith.muli %sub3A_135, %mul3A_155 : i32
          %dma_start3A_157 = arith.constant 1 : i32
          %dma_start3A_158 = arith.constant 0 : i32
          %dma_start3A_159 = tpu.memref_slice %arg7[%mul3A_156, %dma_start3A_158] : memref<40x128xi32, #tpu.memory_space<vmem>> -> memref<20x128xi32, #tpu.memory_space<vmem>>
          %dma_start3A_160 = arith.constant 0 : i32
          %dma_start3A_161 = tpu.memref_slice %arg4[%dma_start3A_157, %add3A_154, %dma_start3A_160] : memref<2x2500x128xi32, #tpu.memory_space<hbm>> -> memref<1x20x128xi32, #tpu.memory_space<hbm>>
          %dma_start3A_162 = tpu.memref_squeeze %dma_start3A_161 : memref<1x20x128xi32, #tpu.memory_space<hbm>> -> memref<20x128xi32, #tpu.memory_space<hbm>>
          %dma_start3A_163 = arith.constant 0 : i32
          %dma_start3A_164 = tpu.memref_slice %arg7[%mul3A_156, %dma_start3A_163] : memref<40x128xi32, #tpu.memory_space<vmem>> -> memref<20x128xi32, #tpu.memory_space<vmem>>
          %dma_start3A_165 = arith.constant 0 : i32
          %dma_start3A_166 = tpu.memref_slice %arg4[%dma_start3A_157, %add3A_154, %dma_start3A_165] : memref<2x2500x128xi32, #tpu.memory_space<hbm>> -> memref<1x20x128xi32, #tpu.memory_space<hbm>>
          %dma_start3A_167 = tpu.memref_squeeze %dma_start3A_166 : memref<1x20x128xi32, #tpu.memory_space<hbm>> -> memref<20x128xi32, #tpu.memory_space<hbm>>
          tpu.enqueue_dma source(%dma_start3A_167 : memref<20x128xi32, #tpu.memory_space<hbm>>) target(%dma_start3A_164 : memref<20x128xi32, #tpu.memory_space<vmem>>) target_semaphore(%arg14 : memref<!tpu.dma_semaphore, #tpu.memory_space<semaphore_mem>>)
        } else {
        }
        %dma_start3A_115 = arith.constant 0 : i32
        %dma_start3A_116 = tpu.memref_slice %arg6[%mul3A_108, %dma_start3A_115] : memref<40x128xi32, #tpu.memory_space<vmem>> -> memref<1x128xi32, #tpu.memory_space<vmem>>
        %dma_start3A_117 = tpu.memref_squeeze %dma_start3A_116 : memref<1x128xi32, #tpu.memory_space<vmem>> -> memref<128xi32, #tpu.memory_space<vmem>>
        %dma_start3A_118 = arith.constant 0 : i32
        %dma_start3A_119 = arith.constant 0 : i32
        %dma_start3A_120 = tpu.memref_slice %arg3[%dma_start3A_118, %dma_start3A_119] : memref<10000x72xf32, #tpu.memory_space<hbm>> -> memref<10000x72xf32, #tpu.memory_space<hbm>>
        tpu.enqueue_indirect_dma source(%dma_start3A_120 : memref<10000x72xf32, #tpu.memory_space<hbm>>) target(%arg8 : memref<128x72xf32, #tpu.memory_space<vmem>>) offsets(%dma_start3A_117 : memref<128xi32, #tpu.memory_space<vmem>>) semaphore(%arg12 : memref<!tpu.dma_semaphore, #tpu.memory_space<semaphore_mem>>)
        %scan3A_121 = arith.constant 0 : i32
        %scan3A_122 = arith.constant 0 : i32
        %scan3A_123 = arith.constant 10 : i32
        %scan3A_124 = arith.addi %scan3A_122, %scan3A_123 : i32
        %scan3A_125 = arith.constant 1 : i32
        scf.for %scan3A_133 = %scan3A_122 to %scan3A_124 step %scan3A_125  : i32 {
          %mul3A_134 = arith.constant 2 : i32
          %mul3A_135 = arith.muli %mul3A_134, %scan3A_133 : i32
          %add3A_136 = arith.addi %mul3A_108, %mul3A_135 : i32
          %add3A_137 = arith.constant 1 : i32
          %add3A_138 = arith.addi %add3A_136, %add3A_137 : i32
          %dma_start3A_139 = arith.constant 0 : i32
          %dma_start3A_140 = tpu.memref_slice %arg6[%add3A_138, %dma_start3A_139] : memref<40x128xi32, #tpu.memory_space<vmem>> -> memref<1x128xi32, #tpu.memory_space<vmem>>
          %dma_start3A_141 = tpu.memref_squeeze %dma_start3A_140 : memref<1x128xi32, #tpu.memory_space<vmem>> -> memref<128xi32, #tpu.memory_space<vmem>>
          %dma_start3A_142 = arith.constant 0 : i32
          %dma_start3A_143 = arith.constant 0 : i32
          %dma_start3A_144 = tpu.memref_slice %arg3[%dma_start3A_142, %dma_start3A_143] : memref<10000x72xf32, #tpu.memory_space<hbm>> -> memref<10000x72xf32, #tpu.memory_space<hbm>>
          tpu.enqueue_indirect_dma source(%dma_start3A_144 : memref<10000x72xf32, #tpu.memory_space<hbm>>) target(%arg9 : memref<128x72xf32, #tpu.memory_space<vmem>>) offsets(%dma_start3A_141 : memref<128xi32, #tpu.memory_space<vmem>>) semaphore(%arg13 : memref<!tpu.dma_semaphore, #tpu.memory_space<semaphore_mem>>)
          %dma_wait3A_145 = arith.constant 0 : i32
          %dma_wait3A_146 = arith.constant 0 : i32
          %dma_wait3A_147 = tpu.memref_slice %arg6[%dma_wait3A_145, %dma_wait3A_146] : memref<40x128xi32, #tpu.memory_space<vmem>> -> memref<1x128xi32, #tpu.memory_space<vmem>>
          %dma_wait3A_148 = tpu.memref_squeeze %dma_wait3A_147 : memref<1x128xi32, #tpu.memory_space<vmem>> -> memref<128xi32, #tpu.memory_space<vmem>>
          %dma_wait3A_149 = arith.constant 0 : i32
          %dma_wait3A_150 = arith.constant 0 : i32
          %dma_wait3A_151 = tpu.memref_slice %arg3[%dma_wait3A_149, %dma_wait3A_150] : memref<10000x72xf32, #tpu.memory_space<hbm>> -> memref<10000x72xf32, #tpu.memory_space<hbm>>
          tpu.wait_indirect_dma semaphore(%arg12 : memref<!tpu.dma_semaphore, #tpu.memory_space<semaphore_mem>>) src(%dma_wait3A_151 : memref<10000x72xf32, #tpu.memory_space<hbm>>) dst(%arg8 : memref<128x72xf32, #tpu.memory_space<vmem>>)
          "tpu.region"() ({
            %run_scoped3A = tpu.sem_alloc : memref<!tpu.dma_semaphore, #tpu.memory_space<semaphore_mem>>
            %dma_start3A_168 = arith.constant 0 : i32
            %dma_start3A_169 = tpu.memref_slice %arg7[%add3A_136, %dma_start3A_168] : memref<40x128xi32, #tpu.memory_space<vmem>> -> memref<1x128xi32, #tpu.memory_space<vmem>>
            %dma_start3A_170 = tpu.memref_squeeze %dma_start3A_169 : memref<1x128xi32, #tpu.memory_space<vmem>> -> memref<128xi32, #tpu.memory_space<vmem>>
            %dma_start3A_171 = arith.constant 0 : i32
            %dma_start3A_172 = arith.constant 0 : i32
            %dma_start3A_173 = tpu.memref_slice %arg11[%dma_start3A_171, %dma_start3A_172] : memref<10000x72xf32, #tpu.memory_space<vmem_shared>> -> memref<10000x72xf32, #tpu.memory_space<vmem_shared>>
            tpu.enqueue_indirect_dma source(%arg8 : memref<128x72xf32, #tpu.memory_space<vmem>>) target(%dma_start3A_173 : memref<10000x72xf32, #tpu.memory_space<vmem_shared>>) offsets(%dma_start3A_170 : memref<128xi32, #tpu.memory_space<vmem>>) semaphore(%run_scoped3A : memref<!tpu.dma_semaphore, #tpu.memory_space<semaphore_mem>>) {add = true}
            %dma_wait3A_174 = arith.constant 0 : i32
            %dma_wait3A_175 = tpu.memref_slice %arg7[%add3A_136, %dma_wait3A_174] : memref<40x128xi32, #tpu.memory_space<vmem>> -> memref<1x128xi32, #tpu.memory_space<vmem>>
            %dma_wait3A_176 = tpu.memref_squeeze %dma_wait3A_175 : memref<1x128xi32, #tpu.memory_space<vmem>> -> memref<128xi32, #tpu.memory_space<vmem>>
            %dma_wait3A_177 = arith.constant 0 : i32
            %dma_wait3A_178 = arith.constant 0 : i32
            %dma_wait3A_179 = tpu.memref_slice %arg11[%dma_wait3A_177, %dma_wait3A_178] : memref<10000x72xf32, #tpu.memory_space<vmem_shared>> -> memref<10000x72xf32, #tpu.memory_space<vmem_shared>>
            tpu.wait_indirect_dma semaphore(%run_scoped3A : memref<!tpu.dma_semaphore, #tpu.memory_space<semaphore_mem>>) src(%arg8 : memref<128x72xf32, #tpu.memory_space<vmem>>) dst(%dma_wait3A_179 : memref<10000x72xf32, #tpu.memory_space<vmem_shared>>)
            tpu.yield
          }) : () -> ()
          %add3A_152 = arith.constant 1 : i32
          %add3A_153 = arith.addi %scan3A_133, %add3A_152 : i32
          %lt3A_154 = arith.constant 10 : i32
          %lt3A_155 = arith.cmpi slt, %add3A_153, %lt3A_154 : i32
          %convert_element_type3A_156 = arith.extui %lt3A_155 : i1 to i32
          %cond3A_157 = arith.constant 0 : i32
          %cond3A_158 = arith.cmpi ne, %convert_element_type3A_156, %cond3A_157 : i32
          scf.if %cond3A_158 {
            %add3A_168 = arith.constant 2 : i32
            %add3A_169 = arith.addi %add3A_136, %add3A_168 : i32
            %dma_start3A_170 = arith.constant 0 : i32
            %dma_start3A_171 = tpu.memref_slice %arg6[%add3A_169, %dma_start3A_170] : memref<40x128xi32, #tpu.memory_space<vmem>> -> memref<1x128xi32, #tpu.memory_space<vmem>>
            %dma_start3A_172 = tpu.memref_squeeze %dma_start3A_171 : memref<1x128xi32, #tpu.memory_space<vmem>> -> memref<128xi32, #tpu.memory_space<vmem>>
            %dma_start3A_173 = arith.constant 0 : i32
            %dma_start3A_174 = arith.constant 0 : i32
            %dma_start3A_175 = tpu.memref_slice %arg3[%dma_start3A_173, %dma_start3A_174] : memref<10000x72xf32, #tpu.memory_space<hbm>> -> memref<10000x72xf32, #tpu.memory_space<hbm>>
            tpu.enqueue_indirect_dma source(%dma_start3A_175 : memref<10000x72xf32, #tpu.memory_space<hbm>>) target(%arg8 : memref<128x72xf32, #tpu.memory_space<vmem>>) offsets(%dma_start3A_172 : memref<128xi32, #tpu.memory_space<vmem>>) semaphore(%arg12 : memref<!tpu.dma_semaphore, #tpu.memory_space<semaphore_mem>>)
          } else {
          }
          %add3A_159 = arith.constant 1 : i32
          %add3A_160 = arith.addi %add3A_136, %add3A_159 : i32
          %dma_wait3A_161 = arith.constant 0 : i32
          %dma_wait3A_162 = arith.constant 0 : i32
          %dma_wait3A_163 = tpu.memref_slice %arg6[%dma_wait3A_161, %dma_wait3A_162] : memref<40x128xi32, #tpu.memory_space<vmem>> -> memref<1x128xi32, #tpu.memory_space<vmem>>
          %dma_wait3A_164 = tpu.memref_squeeze %dma_wait3A_163 : memref<1x128xi32, #tpu.memory_space<vmem>> -> memref<128xi32, #tpu.memory_space<vmem>>
          %dma_wait3A_165 = arith.constant 0 : i32
          %dma_wait3A_166 = arith.constant 0 : i32
          %dma_wait3A_167 = tpu.memref_slice %arg3[%dma_wait3A_165, %dma_wait3A_166] : memref<10000x72xf32, #tpu.memory_space<hbm>> -> memref<10000x72xf32, #tpu.memory_space<hbm>>
          tpu.wait_indirect_dma semaphore(%arg13 : memref<!tpu.dma_semaphore, #tpu.memory_space<semaphore_mem>>) src(%dma_wait3A_167 : memref<10000x72xf32, #tpu.memory_space<hbm>>) dst(%arg9 : memref<128x72xf32, #tpu.memory_space<vmem>>)
          "tpu.region"() ({
            %run_scoped3A = tpu.sem_alloc : memref<!tpu.dma_semaphore, #tpu.memory_space<semaphore_mem>>
            %dma_start3A_168 = arith.constant 0 : i32
            %dma_start3A_169 = tpu.memref_slice %arg7[%add3A_160, %dma_start3A_168] : memref<40x128xi32, #tpu.memory_space<vmem>> -> memref<1x128xi32, #tpu.memory_space<vmem>>
            %dma_start3A_170 = tpu.memref_squeeze %dma_start3A_169 : memref<1x128xi32, #tpu.memory_space<vmem>> -> memref<128xi32, #tpu.memory_space<vmem>>
            %dma_start3A_171 = arith.constant 0 : i32
            %dma_start3A_172 = arith.constant 0 : i32
            %dma_start3A_173 = tpu.memref_slice %arg11[%dma_start3A_171, %dma_start3A_172] : memref<10000x72xf32, #tpu.memory_space<vmem_shared>> -> memref<10000x72xf32, #tpu.memory_space<vmem_shared>>
            tpu.enqueue_indirect_dma source(%arg9 : memref<128x72xf32, #tpu.memory_space<vmem>>) target(%dma_start3A_173 : memref<10000x72xf32, #tpu.memory_space<vmem_shared>>) offsets(%dma_start3A_170 : memref<128xi32, #tpu.memory_space<vmem>>) semaphore(%run_scoped3A : memref<!tpu.dma_semaphore, #tpu.memory_space<semaphore_mem>>) {add = true}
            %dma_wait3A_174 = arith.constant 0 : i32
            %dma_wait3A_175 = tpu.memref_slice %arg7[%add3A_160, %dma_wait3A_174] : memref<40x128xi32, #tpu.memory_space<vmem>> -> memref<1x128xi32, #tpu.memory_space<vmem>>
            %dma_wait3A_176 = tpu.memref_squeeze %dma_wait3A_175 : memref<1x128xi32, #tpu.memory_space<vmem>> -> memref<128xi32, #tpu.memory_space<vmem>>
            %dma_wait3A_177 = arith.constant 0 : i32
            %dma_wait3A_178 = arith.constant 0 : i32
            %dma_wait3A_179 = tpu.memref_slice %arg11[%dma_wait3A_177, %dma_wait3A_178] : memref<10000x72xf32, #tpu.memory_space<vmem_shared>> -> memref<10000x72xf32, #tpu.memory_space<vmem_shared>>
            tpu.wait_indirect_dma semaphore(%run_scoped3A : memref<!tpu.dma_semaphore, #tpu.memory_space<semaphore_mem>>) src(%arg9 : memref<128x72xf32, #tpu.memory_space<vmem>>) dst(%dma_wait3A_179 : memref<10000x72xf32, #tpu.memory_space<vmem_shared>>)
            tpu.yield
          }) : () -> ()
        }
        %scan3A_126 = arith.constant 10 : i32
        %add3A_127 = arith.constant 1 : i32
        %add3A_128 = arith.addi %while3A_105, %add3A_127 : i32
        %lt3A_129 = arith.cmpi slt, %add3A_128, %select_n3A : i32
        %convert_element_type3A_130 = arith.extui %lt3A_129 : i1 to i32
        %cond3A_131 = arith.constant 0 : i32
        %cond3A_132 = arith.cmpi ne, %convert_element_type3A_130, %cond3A_131 : i32
        scf.if %cond3A_132 {
          %dma_wait3A_133 = arith.constant 0 : i32
          %dma_wait3A_134 = arith.constant 0 : i32
          %dma_wait3A_135 = arith.constant 0 : i32
          %dma_wait3A_136 = tpu.memref_slice %arg6[%dma_wait3A_134, %dma_wait3A_135] : memref<40x128xi32, #tpu.memory_space<vmem>> -> memref<20x128xi32, #tpu.memory_space<vmem>>
          %dma_wait3A_137 = arith.constant 0 : i32
          %dma_wait3A_138 = arith.constant 0 : i32
          %dma_wait3A_139 = tpu.memref_slice %arg4[%dma_wait3A_133, %dma_wait3A_137, %dma_wait3A_138] : memref<2x2500x128xi32, #tpu.memory_space<hbm>> -> memref<1x20x128xi32, #tpu.memory_space<hbm>>
          %dma_wait3A_140 = tpu.memref_squeeze %dma_wait3A_139 : memref<1x20x128xi32, #tpu.memory_space<hbm>> -> memref<20x128xi32, #tpu.memory_space<hbm>>
          %dma_wait3A_141 = arith.constant 0 : i32
          %dma_wait3A_142 = arith.constant 0 : i32
          %dma_wait3A_143 = tpu.memref_slice %arg6[%dma_wait3A_141, %dma_wait3A_142] : memref<40x128xi32, #tpu.memory_space<vmem>> -> memref<20x128xi32, #tpu.memory_space<vmem>>
          %dma_wait3A_144 = arith.constant 0 : i32
          %dma_wait3A_145 = arith.constant 0 : i32
          %dma_wait3A_146 = tpu.memref_slice %arg4[%dma_wait3A_133, %dma_wait3A_144, %dma_wait3A_145] : memref<2x2500x128xi32, #tpu.memory_space<hbm>> -> memref<1x20x128xi32, #tpu.memory_space<hbm>>
          %dma_wait3A_147 = tpu.memref_squeeze %dma_wait3A_146 : memref<1x20x128xi32, #tpu.memory_space<hbm>> -> memref<20x128xi32, #tpu.memory_space<hbm>>
          tpu.wait_dma2 semaphore(%arg14 : memref<!tpu.dma_semaphore, #tpu.memory_space<semaphore_mem>>) src(%dma_wait3A_147 : memref<20x128xi32, #tpu.memory_space<hbm>>) dst(%dma_wait3A_143 : memref<20x128xi32, #tpu.memory_space<vmem>>)
          %dma_wait3A_148 = arith.constant 1 : i32
          %dma_wait3A_149 = arith.constant 0 : i32
          %dma_wait3A_150 = arith.constant 0 : i32
          %dma_wait3A_151 = tpu.memref_slice %arg7[%dma_wait3A_149, %dma_wait3A_150] : memref<40x128xi32, #tpu.memory_space<vmem>> -> memref<20x128xi32, #tpu.memory_space<vmem>>
          %dma_wait3A_152 = arith.constant 0 : i32
          %dma_wait3A_153 = arith.constant 0 : i32
          %dma_wait3A_154 = tpu.memref_slice %arg4[%dma_wait3A_148, %dma_wait3A_152, %dma_wait3A_153] : memref<2x2500x128xi32, #tpu.memory_space<hbm>> -> memref<1x20x128xi32, #tpu.memory_space<hbm>>
          %dma_wait3A_155 = tpu.memref_squeeze %dma_wait3A_154 : memref<1x20x128xi32, #tpu.memory_space<hbm>> -> memref<20x128xi32, #tpu.memory_space<hbm>>
          %dma_wait3A_156 = arith.constant 0 : i32
          %dma_wait3A_157 = arith.constant 0 : i32
          %dma_wait3A_158 = tpu.memref_slice %arg7[%dma_wait3A_156, %dma_wait3A_157] : memref<40x128xi32, #tpu.memory_space<vmem>> -> memref<20x128xi32, #tpu.memory_space<vmem>>
          %dma_wait3A_159 = arith.constant 0 : i32
          %dma_wait3A_160 = arith.constant 0 : i32
          %dma_wait3A_161 = tpu.memref_slice %arg4[%dma_wait3A_148, %dma_wait3A_159, %dma_wait3A_160] : memref<2x2500x128xi32, #tpu.memory_space<hbm>> -> memref<1x20x128xi32, #tpu.memory_space<hbm>>
          %dma_wait3A_162 = tpu.memref_squeeze %dma_wait3A_161 : memref<1x20x128xi32, #tpu.memory_space<hbm>> -> memref<20x128xi32, #tpu.memory_space<hbm>>
          tpu.wait_dma2 semaphore(%arg14 : memref<!tpu.dma_semaphore, #tpu.memory_space<semaphore_mem>>) src(%dma_wait3A_162 : memref<20x128xi32, #tpu.memory_space<hbm>>) dst(%dma_wait3A_158 : memref<20x128xi32, #tpu.memory_space<vmem>>)
        } else {
        }
      }
    } else {
    }
    %barrier3A_25 = arith.constant 0 : index
    tpu.barrier barrier_id(%barrier3A_25)
    %lt3A_26 = arith.constant 15 : i32
    %lt3A_27 = arith.cmpi slt, %arg1, %lt3A_26 : i32
    %convert_element_type3A_28 = arith.extui %lt3A_27 : i1 to i32
    %cond3A_29 = arith.constant 0 : i32
    %cond3A_30 = arith.cmpi ne, %convert_element_type3A_28, %cond3A_29 : i32
    scf.if %cond3A_30 {
      "tpu.region"() ({
        %run_scoped3A = tpu.sem_alloc : memref<!tpu.dma_semaphore, #tpu.memory_space<semaphore_mem>>
        %dma_start3A = arith.constant 0 : i32
        %dma_start3A_36 = tpu.memref_slice %arg11[%mul3A_0, %dma_start3A] : memref<10000x72xf32, #tpu.memory_space<vmem_shared>> -> memref<632x72xf32, #tpu.memory_space<vmem_shared>>
        %dma_start3A_37 = arith.constant 0 : i32
        %dma_start3A_38 = tpu.memref_slice %arg11[%mul3A_0, %dma_start3A_37] : memref<10000x72xf32, #tpu.memory_space<vmem_shared>> -> memref<632x72xf32, #tpu.memory_space<vmem_shared>>
        tpu.enqueue_dma source(%dma_start3A_38 : memref<632x72xf32, #tpu.memory_space<vmem_shared>>) target(%arg10 : memref<632x72xf32, #tpu.memory_space<vmem>>) target_semaphore(%run_scoped3A : memref<!tpu.dma_semaphore, #tpu.memory_space<semaphore_mem>>)
        %dma_wait3A = arith.constant 0 : i32
        %dma_wait3A_39 = tpu.memref_slice %arg11[%mul3A_0, %dma_wait3A] : memref<10000x72xf32, #tpu.memory_space<vmem_shared>> -> memref<632x72xf32, #tpu.memory_space<vmem_shared>>
        %dma_wait3A_40 = arith.constant 0 : i32
        %dma_wait3A_41 = tpu.memref_slice %arg11[%mul3A_0, %dma_wait3A_40] : memref<10000x72xf32, #tpu.memory_space<vmem_shared>> -> memref<632x72xf32, #tpu.memory_space<vmem_shared>>
        tpu.wait_dma2 semaphore(%run_scoped3A : memref<!tpu.dma_semaphore, #tpu.memory_space<semaphore_mem>>) src(%dma_wait3A_41 : memref<632x72xf32, #tpu.memory_space<vmem_shared>>) dst(%arg10 : memref<632x72xf32, #tpu.memory_space<vmem>>)
        tpu.yield
      }) : () -> ()
      "tpu.region"() ({
        %run_scoped3A = tpu.sem_alloc : memref<!tpu.dma_semaphore, #tpu.memory_space<semaphore_mem>>
        %dma_start3A = arith.constant 0 : i32
        %dma_start3A_36 = tpu.memref_slice %arg5[%arg0, %mul3A_0, %dma_start3A] : memref<2x10000x72xf32, #tpu.memory_space<hbm>> -> memref<1x632x72xf32, #tpu.memory_space<hbm>>
        %dma_start3A_37 = tpu.memref_squeeze %dma_start3A_36 : memref<1x632x72xf32, #tpu.memory_space<hbm>> -> memref<632x72xf32, #tpu.memory_space<hbm>>
        %dma_start3A_38 = arith.constant 0 : i32
        %dma_start3A_39 = tpu.memref_slice %arg5[%arg0, %mul3A_0, %dma_start3A_38] : memref<2x10000x72xf32, #tpu.memory_space<hbm>> -> memref<1x632x72xf32, #tpu.memory_space<hbm>>
        %dma_start3A_40 = tpu.memref_squeeze %dma_start3A_39 : memref<1x632x72xf32, #tpu.memory_space<hbm>> -> memref<632x72xf32, #tpu.memory_space<hbm>>
        tpu.enqueue_dma source(%arg10 : memref<632x72xf32, #tpu.memory_space<vmem>>) target(%dma_start3A_40 : memref<632x72xf32, #tpu.memory_space<hbm>>) target_semaphore(%run_scoped3A : memref<!tpu.dma_semaphore, #tpu.memory_space<semaphore_mem>>)
        %dma_wait3A = arith.constant 0 : i32
        %dma_wait3A_41 = tpu.memref_slice %arg5[%arg0, %mul3A_0, %dma_wait3A] : memref<2x10000x72xf32, #tpu.memory_space<hbm>> -> memref<1x632x72xf32, #tpu.memory_space<hbm>>
        %dma_wait3A_42 = tpu.memref_squeeze %dma_wait3A_41 : memref<1x632x72xf32, #tpu.memory_space<hbm>> -> memref<632x72xf32, #tpu.memory_space<hbm>>
        %dma_wait3A_43 = arith.constant 0 : i32
        %dma_wait3A_44 = tpu.memref_slice %arg5[%arg0, %mul3A_0, %dma_wait3A_43] : memref<2x10000x72xf32, #tpu.memory_space<hbm>> -> memref<1x632x72xf32, #tpu.memory_space<hbm>>
        %dma_wait3A_45 = tpu.memref_squeeze %dma_wait3A_44 : memref<1x632x72xf32, #tpu.memory_space<hbm>> -> memref<632x72xf32, #tpu.memory_space<hbm>>
        tpu.wait_dma2 semaphore(%run_scoped3A : memref<!tpu.dma_semaphore, #tpu.memory_space<semaphore_mem>>) src(%arg10 : memref<632x72xf32, #tpu.memory_space<vmem>>) dst(%dma_wait3A_45 : memref<632x72xf32, #tpu.memory_space<hbm>>)
        tpu.yield
      }) : () -> ()
    } else {
    }
    %eq3A_31 = arith.constant 15 : i32
    %eq3A_32 = arith.cmpi eq, %arg1, %eq3A_31 : i32
    %convert_element_type3A_33 = arith.extui %eq3A_32 : i1 to i32
    %cond3A_34 = arith.constant 0 : i32
    %cond3A_35 = arith.cmpi ne, %convert_element_type3A_33, %cond3A_34 : i32
    scf.if %cond3A_35 {
      "tpu.region"() ({
        %run_scoped3A = tpu.sem_alloc : memref<!tpu.dma_semaphore, #tpu.memory_space<semaphore_mem>>
        %dma_start3A = arith.constant 0 : i32
        %dma_start3A_36 = arith.constant 0 : i32
        %dma_start3A_37 = tpu.memref_slice %arg10[%dma_start3A, %dma_start3A_36] : memref<632x72xf32, #tpu.memory_space<vmem>> -> memref<520x72xf32, #tpu.memory_space<vmem>>
        %dma_start3A_38 = arith.constant 9480 : i32
        %dma_start3A_39 = arith.constant 0 : i32
        %dma_start3A_40 = tpu.memref_slice %arg11[%dma_start3A_38, %dma_start3A_39] : memref<10000x72xf32, #tpu.memory_space<vmem_shared>> -> memref<520x72xf32, #tpu.memory_space<vmem_shared>>
        %dma_start3A_41 = arith.constant 0 : i32
        %dma_start3A_42 = arith.constant 0 : i32
        %dma_start3A_43 = tpu.memref_slice %arg10[%dma_start3A_41, %dma_start3A_42] : memref<632x72xf32, #tpu.memory_space<vmem>> -> memref<520x72xf32, #tpu.memory_space<vmem>>
        %dma_start3A_44 = arith.constant 9480 : i32
        %dma_start3A_45 = arith.constant 0 : i32
        %dma_start3A_46 = tpu.memref_slice %arg11[%dma_start3A_44, %dma_start3A_45] : memref<10000x72xf32, #tpu.memory_space<vmem_shared>> -> memref<520x72xf32, #tpu.memory_space<vmem_shared>>
        tpu.enqueue_dma source(%dma_start3A_46 : memref<520x72xf32, #tpu.memory_space<vmem_shared>>) target(%dma_start3A_43 : memref<520x72xf32, #tpu.memory_space<vmem>>) target_semaphore(%run_scoped3A : memref<!tpu.dma_semaphore, #tpu.memory_space<semaphore_mem>>)
        %dma_wait3A = arith.constant 0 : i32
        %dma_wait3A_47 = arith.constant 0 : i32
        %dma_wait3A_48 = tpu.memref_slice %arg10[%dma_wait3A, %dma_wait3A_47] : memref<632x72xf32, #tpu.memory_space<vmem>> -> memref<520x72xf32, #tpu.memory_space<vmem>>
        %dma_wait3A_49 = arith.constant 9480 : i32
        %dma_wait3A_50 = arith.constant 0 : i32
        %dma_wait3A_51 = tpu.memref_slice %arg11[%dma_wait3A_49, %dma_wait3A_50] : memref<10000x72xf32, #tpu.memory_space<vmem_shared>> -> memref<520x72xf32, #tpu.memory_space<vmem_shared>>
        %dma_wait3A_52 = arith.constant 0 : i32
        %dma_wait3A_53 = arith.constant 0 : i32
        %dma_wait3A_54 = tpu.memref_slice %arg10[%dma_wait3A_52, %dma_wait3A_53] : memref<632x72xf32, #tpu.memory_space<vmem>> -> memref<520x72xf32, #tpu.memory_space<vmem>>
        %dma_wait3A_55 = arith.constant 9480 : i32
        %dma_wait3A_56 = arith.constant 0 : i32
        %dma_wait3A_57 = tpu.memref_slice %arg11[%dma_wait3A_55, %dma_wait3A_56] : memref<10000x72xf32, #tpu.memory_space<vmem_shared>> -> memref<520x72xf32, #tpu.memory_space<vmem_shared>>
        tpu.wait_dma2 semaphore(%run_scoped3A : memref<!tpu.dma_semaphore, #tpu.memory_space<semaphore_mem>>) src(%dma_wait3A_57 : memref<520x72xf32, #tpu.memory_space<vmem_shared>>) dst(%dma_wait3A_54 : memref<520x72xf32, #tpu.memory_space<vmem>>)
        tpu.yield
      }) : () -> ()
      "tpu.region"() ({
        %run_scoped3A = tpu.sem_alloc : memref<!tpu.dma_semaphore, #tpu.memory_space<semaphore_mem>>
        %dma_start3A = arith.constant 0 : i32
        %dma_start3A_36 = arith.constant 0 : i32
        %dma_start3A_37 = tpu.memref_slice %arg10[%dma_start3A, %dma_start3A_36] : memref<632x72xf32, #tpu.memory_space<vmem>> -> memref<520x72xf32, #tpu.memory_space<vmem>>
        %dma_start3A_38 = arith.constant 9480 : i32
        %dma_start3A_39 = arith.constant 0 : i32
        %dma_start3A_40 = tpu.memref_slice %arg5[%arg0, %dma_start3A_38, %dma_start3A_39] : memref<2x10000x72xf32, #tpu.memory_space<hbm>> -> memref<1x520x72xf32, #tpu.memory_space<hbm>>
        %dma_start3A_41 = tpu.memref_squeeze %dma_start3A_40 : memref<1x520x72xf32, #tpu.memory_space<hbm>> -> memref<520x72xf32, #tpu.memory_space<hbm>>
        %dma_start3A_42 = arith.constant 9480 : i32
        %dma_start3A_43 = arith.constant 0 : i32
        %dma_start3A_44 = tpu.memref_slice %arg5[%arg0, %dma_start3A_42, %dma_start3A_43] : memref<2x10000x72xf32, #tpu.memory_space<hbm>> -> memref<1x520x72xf32, #tpu.memory_space<hbm>>
        %dma_start3A_45 = tpu.memref_squeeze %dma_start3A_44 : memref<1x520x72xf32, #tpu.memory_space<hbm>> -> memref<520x72xf32, #tpu.memory_space<hbm>>
        %dma_start3A_46 = arith.constant 0 : i32
        %dma_start3A_47 = arith.constant 0 : i32
        %dma_start3A_48 = tpu.memref_slice %arg10[%dma_start3A_46, %dma_start3A_47] : memref<632x72xf32, #tpu.memory_space<vmem>> -> memref<520x72xf32, #tpu.memory_space<vmem>>
        tpu.enqueue_dma source(%dma_start3A_48 : memref<520x72xf32, #tpu.memory_space<vmem>>) target(%dma_start3A_45 : memref<520x72xf32, #tpu.memory_space<hbm>>) target_semaphore(%run_scoped3A : memref<!tpu.dma_semaphore, #tpu.memory_space<semaphore_mem>>)
        %dma_wait3A = arith.constant 0 : i32
        %dma_wait3A_49 = arith.constant 0 : i32
        %dma_wait3A_50 = tpu.memref_slice %arg10[%dma_wait3A, %dma_wait3A_49] : memref<632x72xf32, #tpu.memory_space<vmem>> -> memref<520x72xf32, #tpu.memory_space<vmem>>
        %dma_wait3A_51 = arith.constant 9480 : i32
        %dma_wait3A_52 = arith.constant 0 : i32
        %dma_wait3A_53 = tpu.memref_slice %arg5[%arg0, %dma_wait3A_51, %dma_wait3A_52] : memref<2x10000x72xf32, #tpu.memory_space<hbm>> -> memref<1x520x72xf32, #tpu.memory_space<hbm>>
        %dma_wait3A_54 = tpu.memref_squeeze %dma_wait3A_53 : memref<1x520x72xf32, #tpu.memory_space<hbm>> -> memref<520x72xf32, #tpu.memory_space<hbm>>
        %dma_wait3A_55 = arith.constant 9480 : i32
        %dma_wait3A_56 = arith.constant 0 : i32
        %dma_wait3A_57 = tpu.memref_slice %arg5[%arg0, %dma_wait3A_55, %dma_wait3A_56] : memref<2x10000x72xf32, #tpu.memory_space<hbm>> -> memref<1x520x72xf32, #tpu.memory_space<hbm>>
        %dma_wait3A_58 = tpu.memref_squeeze %dma_wait3A_57 : memref<1x520x72xf32, #tpu.memory_space<hbm>> -> memref<520x72xf32, #tpu.memory_space<hbm>>
        %dma_wait3A_59 = arith.constant 0 : i32
        %dma_wait3A_60 = arith.constant 0 : i32
        %dma_wait3A_61 = tpu.memref_slice %arg10[%dma_wait3A_59, %dma_wait3A_60] : memref<632x72xf32, #tpu.memory_space<vmem>> -> memref<520x72xf32, #tpu.memory_space<vmem>>
        tpu.wait_dma2 semaphore(%run_scoped3A : memref<!tpu.dma_semaphore, #tpu.memory_space<semaphore_mem>>) src(%dma_wait3A_61 : memref<520x72xf32, #tpu.memory_space<vmem>>) dst(%dma_wait3A_58 : memref<520x72xf32, #tpu.memory_space<hbm>>)
        tpu.yield
      }) : () -> ()
    } else {
    }
    return
  }
}

module attributes {stable_mosaic.version = 14 : i64} {
  func.func @_neigh_mm_body(%arg0: memref<10000x128xf32, #tpu.memory_space<vmem>>, %arg1: memref<128x128xf32, #tpu.memory_space<vmem>>, %arg2: memref<10000x72xf32, #tpu.memory_space<vmem>>, %arg3: memref<10000x72xf32, #tpu.memory_space<vmem>>) attributes {dimension_semantics = [], scalar_prefetch = 0 : i64, scratch_operands = 0 : i64, tpu.core_type = #tpu.core_type<tc>} {
    %get3A = arith.constant 0 : index
    %get3A_0 = arith.constant 0 : index
    %get3A_1 = vector.load %arg0[%get3A, %get3A_0] : memref<10000x128xf32, #tpu.memory_space<vmem>>, vector<10000x128xf32>
    %get3A_2 = arith.constant 0 : index
    %get3A_3 = arith.constant 0 : index
    %get3A_4 = vector.load %arg1[%get3A_2, %get3A_3] : memref<128x128xf32, #tpu.memory_space<vmem>>, vector<128x128xf32>
    %dot_general3A = arith.constant dense<0.000000e+00> : vector<10000x128xf32>
    %dot_general3A_5 = tpu.matmul %get3A_1, %get3A_4, %dot_general3A {dimension_numbers = #tpu.dot_dimension_numbers<[1], [0], [0], [1], [0, 0, 1, 1], [], []>, transpose_lhs_hint = false} : vector<10000x128xf32>, vector<128x128xf32>, vector<10000x128xf32> -> vector<10000x128xf32>
    %broadcast_in_dim3A = arith.constant 1.000000e+00 : f32
    %broadcast_in_dim3A_6 = vector.broadcast %broadcast_in_dim3A : f32 to vector<10000x8xf32>
    %slice3A = vector.extract_strided_slice %dot_general3A_5 {offsets = [0, 0], sizes = [10000, 64], strides = [1, 1]} : vector<10000x128xf32> to vector<10000x64xf32>
    %concatenate3A = tpu.concatenate %slice3A, %broadcast_in_dim3A_6 in 1 : vector<10000x64xf32>, vector<10000x8xf32> -> vector<10000x72xf32>
    %swap3A = arith.constant 0 : index
    %swap3A_7 = arith.constant 0 : index
    %swap3A_8 = vector.load %arg2[%swap3A, %swap3A_7] : memref<10000x72xf32, #tpu.memory_space<vmem>>, vector<10000x72xf32>
    tpu.vector_store %arg2[%swap3A, %swap3A_7], %concatenate3A {strides = array<i32>} : memref<10000x72xf32, #tpu.memory_space<vmem>>, vector<10000x72xf32>,
    %slice3A_9 = vector.extract_strided_slice %dot_general3A_5 {offsets = [0, 64], sizes = [10000, 64], strides = [1, 1]} : vector<10000x128xf32> to vector<10000x64xf32>
    %concatenate3A_10 = tpu.concatenate %slice3A_9, %broadcast_in_dim3A_6 in 1 : vector<10000x64xf32>, vector<10000x8xf32> -> vector<10000x72xf32>
    %swap3A_11 = arith.constant 0 : index
    %swap3A_12 = arith.constant 0 : index
    %swap3A_13 = vector.load %arg3[%swap3A_11, %swap3A_12] : memref<10000x72xf32, #tpu.memory_space<vmem>>, vector<10000x72xf32>
    tpu.vector_store %arg3[%swap3A_11, %swap3A_12], %concatenate3A_10 {strides = array<i32>} : memref<10000x72xf32, #tpu.memory_space<vmem>>, vector<10000x72xf32>,
    return
  }
}

module attributes {stable_mosaic.version = 14 : i64} {
  func.func @_combine_body(%arg0: memref<10000x128xf32, #tpu.memory_space<vmem>>, %arg1: memref<128x128xf32, #tpu.memory_space<vmem>>, %arg2: memref<1x128xf32, #tpu.memory_space<vmem>>, %arg3: memref<2x10000x72xf32, #tpu.memory_space<vmem>>, %arg4: memref<10000x128xf32, #tpu.memory_space<vmem>>) attributes {dimension_semantics = [], scalar_prefetch = 0 : i64, scratch_operands = 0 : i64, tpu.core_type = #tpu.core_type<tc>} {
    %get3A = arith.constant 0 : index
    %get3A_0 = arith.constant 0 : index
    %get3A_1 = arith.constant 0 : index
    %get3A_2 = vector.load %arg3[%get3A, %get3A_0, %get3A_1] : memref<2x10000x72xf32, #tpu.memory_space<vmem>>, vector<1x10000x72xf32>
    %get3A_3 = vector.shape_cast %get3A_2 : vector<1x10000x72xf32> to vector<10000x72xf32>
    %get3A_4 = arith.constant 1 : index
    %get3A_5 = arith.constant 0 : index
    %get3A_6 = arith.constant 0 : index
    %get3A_7 = vector.load %arg3[%get3A_4, %get3A_5, %get3A_6] : memref<2x10000x72xf32, #tpu.memory_space<vmem>>, vector<1x10000x72xf32>
    %get3A_8 = vector.shape_cast %get3A_7 : vector<1x10000x72xf32> to vector<10000x72xf32>
    %slice3A = vector.extract_strided_slice %get3A_3 {offsets = [0, 64], sizes = [10000, 1], strides = [1, 1]} : vector<10000x72xf32> to vector<10000x1xf32>
    %max3A = arith.constant 1.000000e+00 : f32
    %max3A_9 = vector.broadcast %max3A : f32 to vector<10000x1xf32>
    %max3A_10 = arith.maximumf %slice3A, %max3A_9 : vector<10000x1xf32>
    %div3A = arith.constant 1.000000e+00 : f32
    %div3A_11 = vector.broadcast %div3A : f32 to vector<10000x1xf32>
    %div3A_12 = arith.divf %div3A_11, %max3A_10 : vector<10000x1xf32>
    %slice3A_13 = vector.extract_strided_slice %get3A_3 {offsets = [0, 0], sizes = [10000, 64], strides = [1, 1]} : vector<10000x72xf32> to vector<10000x64xf32>
    %slice3A_14 = vector.extract_strided_slice %get3A_8 {offsets = [0, 0], sizes = [10000, 64], strides = [1, 1]} : vector<10000x72xf32> to vector<10000x64xf32>
    %concatenate3A = tpu.concatenate %slice3A_13, %slice3A_14 in 1 : vector<10000x64xf32>, vector<10000x64xf32> -> vector<10000x128xf32>
    %mul3A = vector.broadcast %div3A_12 : vector<10000x1xf32> to vector<10000x128xf32>
    %mul3A_15 = arith.mulf %concatenate3A, %mul3A : vector<10000x128xf32>
    %get3A_16 = arith.constant 0 : index
    %get3A_17 = arith.constant 0 : index
    %get3A_18 = vector.load %arg0[%get3A_16, %get3A_17] : memref<10000x128xf32, #tpu.memory_space<vmem>>, vector<10000x128xf32>
    %get3A_19 = arith.constant 0 : index
    %get3A_20 = arith.constant 0 : index
    %get3A_21 = vector.load %arg1[%get3A_19, %get3A_20] : memref<128x128xf32, #tpu.memory_space<vmem>>, vector<128x128xf32>
    %dot_general3A = arith.constant dense<0.000000e+00> : vector<10000x128xf32>
    %dot_general3A_22 = tpu.matmul %get3A_18, %get3A_21, %dot_general3A {dimension_numbers = #tpu.dot_dimension_numbers<[1], [0], [0], [1], [0, 0, 1, 1], [], []>, transpose_lhs_hint = false} : vector<10000x128xf32>, vector<128x128xf32>, vector<10000x128xf32> -> vector<10000x128xf32>
    %add3A = arith.addf %dot_general3A_22, %mul3A_15 : vector<10000x128xf32>
    %get3A_23 = arith.constant 0 : index
    %get3A_24 = arith.constant 0 : index
    %get3A_25 = vector.load %arg2[%get3A_23, %get3A_24] : memref<1x128xf32, #tpu.memory_space<vmem>>, vector<1x128xf32>
    %add3A_26 = vector.broadcast %get3A_25 : vector<1x128xf32> to vector<10000x128xf32>
    %add3A_27 = arith.addf %add3A, %add3A_26 : vector<10000x128xf32>
    %swap3A = arith.constant 0 : index
    %swap3A_28 = arith.constant 0 : index
    %swap3A_29 = vector.load %arg4[%swap3A, %swap3A_28] : memref<10000x128xf32, #tpu.memory_space<vmem>>, vector<10000x128xf32>
    tpu.vector_store %arg4[%swap3A, %swap3A_28], %add3A_27 {strides = array<i32>} : memref<10000x128xf32, #tpu.memory_space<vmem>>, vector<10000x128xf32>,
    return
  }
}

</mosaic_0001>

<sc_bundles>
// kernel: kernel.5.cloned.1.call-start
scs
__scs_entry_jumppad:
0x0: {  	(pc) =	sbr.rel $0x88, $3  }
0x1: {  	(tag) =	ssettag $0x0;
	lr =	simm.s32 $0x1  }
0x2: {  	[smem:$0x3F9C] =	sst lr;
	_ =	strace $0xD0000000  }
0x3: {  	_ = 	snop  }
0x4: {  	_ = 	snop  }
0x5: {  	_ = 	snop  }
0x6: {  	_ = 	snop  }
0x7: {  	_ = 	snop  }
__scs_overlays_trampoline_lowered:
0x8: {  	[smem:$0x3FAB] =	sst s0  }
0x9: {  	[smem:$0x3FAC] =	sst s1  }
0xa: {  	[smem:$0x3FAD] =	sst s2  }
0xb: {  	[smem:$0x3FAE] =	sst s3  }
0xc: {  	[smem:$0x3FAF] =	sst s4  }
0xd: {  	[smem:$0x3FB0] =	sst s5  }
0xe: {  	[smem:$0x3FB1] =	sst s6  }
0xf: {  	[smem:$0x3FB2] =	sst s7  }
0x10: {  	[smem:$0x3FB3] =	sst s8  }
0x11: {  	[smem:$0x3FB4] =	sst s9;
	s0 =	simm.s32 @!p0 $0x0  }
0x12: {  	s1 =	sld [smem:$0x3F9A];
	s0 =	simm.s32 @p0 $0x1  }
0x13: {  	[smem:$0x3FB5] =	sst s0;
	s0 =	simm.s32 @!p1 $0x0  }
0x14: {  	s2 =	sld [smem:$0x3F99];
	s0 =	simm.s32 @p1 $0x1  }
0x15: {  	[smem:$0x3FB6] =	sst s0;
	s0 =	simm.s32 @!p2 $0x0  }
0x16: {  	s3 =	sld [smem:$0x3FDB];
	s0 =	simm.s32 @p2 $0x1  }
0x17: {  	s4 =	simm.s32 $0x1BF5;
	[smem:$0x3FB8] =	sst s0  }
0x18: {  	s0 =	sld [smem:$0x3F9B];
	_ =	swait.ge [sflag:s4], $0x0  }
0x19: {  	s7 =	sld [smem:$0x3F9C]  }
0x1a: {  	s8 =	sadd.s32 $0xFFFFE003, lr  }
0x1b: {  	s9 =	sadd.s32 $0xFFFFFEF7, lr;
	s5 =	simm.s32 $0xFFFFFFFF;
	p2 =	slt.u32 s8, $0xFFFFF086  }
0x1c: {  	p1 =	slt.u32 s9, $0xF7A;
	s5 =	simm.s32 @!p2 $0x0  }
0x1d: {  	s5 =	simm.s32 @p1 $0x1;
	p0 =	seq.s32 s7, s2  }
0x1e: {  	s7 =	smul.u32 @!p0 $0xF7A, s2;
	p2 =	seq.s32 @!p0 s5, $0x0  }
0x1f: {  	s9 =	smul.u32 $0xF7A, s1;
	s8 =	simm.s32 @!p0 $0x1BF5;
	p2 =	por !p2, p0  }
0x20: {  	[sflag:s8] =	ssyncset.s32 @!p0 $0xFFFFF086;
	s6 =	sadd.s32 @!p0 s3, s7;
	s7 =	simm.s32 @!p0 $0x108  }
0x21: {  	s3 =	sadd.s32 s3, s9;
	s6 =	sadd.s32 @!p0 $0x88, s6;
	s7 =	simm.s32 @p2 $0x1082  }
0x22: {  	[simem:s7], [sflag:s8] =	dma.local @!p0 [hbm:s6], $0xF7A  }
0x23: {  	s9 =	sor.u32 $0xD0000000, s2;
	s6 =	simm.s32 $0x108;
	_ =	swait.ge @!p0 [sflag:s8], $0x0  }
0x24: {  	s3 =	sadd.s32 $0x88, s3;
	s6 =	simm.s32 @!p1 $0x1082;
	[sflag:s4] =	ssyncset.s32 $0xFFFFF086  }
0x25: {  	[simem:s6], [sflag:s4] =	dma.local [hbm:s3], $0xF7A  }
0x26: {  	[smem:$0x3F9C] =	sst s1;
	(tag) =	ssettag s2;
	_ =	strace s9  }
0x27: {  	s1 =	sld [smem:$0x3FAC]  }
0x28: {  	s2 =	sld [smem:$0x3FAD]  }
0x29: {  	s4 =	sld [smem:$0x3FAF]  }
0x2a: {  	p0 =	seq.s32 s5, $0x0;
	s5 =	sld [smem:$0x3FB0]  }
0x2b: {  	s6 =	sld [smem:$0x3FB1]  }
0x2c: {  	s7 =	sld [smem:$0x3FB2]  }
0x2d: {  	s3 =	simm.s32 $0x108;
	s8 =	sld [smem:$0x3FB3]  }
0x2e: {  	s3 =	simm.s32 @!p0 $0x1082;
	s9 =	sld [smem:$0x3FB4]  }
0x2f: {  	lr =	sadd.s32 s0, s3;
	s0 =	sld [smem:$0x3FAB]  }
0x30: {  	s3 =	sld [smem:$0x3FAE]  }
0x31: {  	[smem:$0x3FB7] =	sst s10  }
0x32: {  	s10 =	sld [smem:$0x3FB5];
	_ =	sdelay $0x3  }
0x33: {  	p0 =	seq.s32 s10, $0x1;
	s10 =	sld [smem:$0x3FB7];
	_ =	sdelay $0x3  }
0x34: {  	[smem:$0x3FB7] =	sst s10  }
0x35: {  	s10 =	sld [smem:$0x3FB6];
	_ =	sdelay $0x3  }
0x36: {  	p1 =	seq.s32 s10, $0x1;
	s10 =	sld [smem:$0x3FB7];
	_ =	sdelay $0x3  }
0x37: {  	[smem:$0x3FB7] =	sst s10  }
0x38: {  	s10 =	sld [smem:$0x3FB8]  }
0x39: {  	_ = 	snop;
	(pc) =	sbr.ind lr, $3  }
0x3a: {  	_ = 	snop  }
0x3b: {  	_ = 	snop  }
0x3c: {  	p2 =	seq.s32 s10, $0x1;
	s10 =	sld [smem:$0x3FB7]  }
0x3d: {  	_ =	shalt  }
0x3e: {  	_ =	shalt  }
0x3f: {  	_ =	shalt  }
0x40: {  	_ =	shalt  }
0x41: {  	_ =	shalt  }
0x42: {  	_ =	shalt  }
0x43: {  	_ =	shalt  }
0x44: {  	_ =	shalt  }
0x45: {  	_ =	shalt  }
0x46: {  	_ =	shalt  }
0x47: {  	_ =	shalt  }
0x48: {  	_ =	shalt  }
0x49: {  	_ =	shalt  }
0x4a: {  	_ =	shalt  }
0x4b: {  	_ =	shalt  }
0x4c: {  	_ =	shalt  }
0x4d: {  	_ =	shalt  }
0x4e: {  	_ =	shalt  }
0x4f: {  	_ =	shalt  }
0x50: {  	_ =	shalt  }
0x51: {  	_ =	shalt  }
0x52: {  	_ =	shalt  }
0x53: {  	_ =	shalt  }
0x54: {  	_ =	shalt  }
0x55: {  	_ =	shalt  }
0x56: {  	_ =	shalt  }
0x57: {  	_ =	shalt  }
0x58: {  	_ =	shalt  }
0x59: {  	_ =	shalt  }
0x5a: {  	_ =	shalt  }
0x5b: {  	_ =	shalt  }
0x5c: {  	_ =	shalt  }
0x5d: {  	_ =	shalt  }
0x5e: {  	_ =	shalt  }
0x5f: {  	_ =	shalt  }
0x60: {  	_ =	shalt  }
0x61: {  	_ =	shalt  }
0x62: {  	_ =	shalt  }
0x63: {  	_ =	shalt  }
0x64: {  	_ =	shalt  }
0x65: {  	_ =	shalt  }
0x66: {  	_ =	shalt  }
0x67: {  	_ =	shalt  }
0x68: {  	_ =	shalt  }
0x69: {  	_ =	shalt  }
0x6a: {  	_ =	shalt  }
0x6b: {  	_ =	shalt  }
0x6c: {  	_ =	shalt  }
0x6d: {  	_ =	shalt  }
0x6e: {  	_ =	shalt  }
0x6f: {  	_ =	shalt  }
0x70: {  	_ =	shalt  }
0x71: {  	_ =	shalt  }
0x72: {  	_ =	shalt  }
0x73: {  	_ =	shalt  }
0x74: {  	_ =	shalt  }
0x75: {  	_ =	shalt  }
0x76: {  	_ =	shalt  }
0x77: {  	_ =	shalt  }
0x78: {  	_ =	shalt  }
0x79: {  	_ =	shalt  }
0x7a: {  	_ =	shalt  }
0x7b: {  	_ =	shalt  }
0x7c: {  	_ =	shalt  }
0x7d: {  	_ =	shalt  }
0x7e: {  	_ =	shalt  }
0x7f: {  	_ =	shalt  }
0x80: {  	_ =	shalt  }
0x81: {  	_ =	shalt  }
0x82: {  	_ =	shalt  }
0x83: {  	_ =	shalt  }
0x84: {  	_ =	shalt  }
0x85: {  	_ =	shalt  }
0x86: {  	_ =	shalt  }
0x87: {  	_ =	shalt  }
.Lfunc_end0:
.L_simem_size_0:
called_computation_lowered:
.L_overlay_start_0:
0x88: {  	s2 =	sld [smem:$0x3FD9]  }
0x89: {  	s3 =	sld [smem:$0x3FFE];
	_ =	sdelay $0x1  }
0x8a: {  	s1 =	srdreg.scid  }
0x8b: {  	s0 =	sand.u32 $0x1, s1  }
0x8c: {  	s17 =	sshll.u32 s0, $0xA;
	s2 =	sadd.s32 s3, s2  }
0x8d: {  	s2 =	sadd.s32 s2, s17  }
0x8e: {  	[smem:$0x3FC3] =	sst s2  }
0x8f: {  	_ = 	snop  }
0x90: {  	s2 =	sld [smem:$0x3FD0];
	(tm) =	ssettm $0x1  }
0x91: {  	s18 =	sld [smem:$0x3FFB];
	_ =	sdelay $0x3  }
0x92: {  	_ =	strace s18  }
0x93: {  	s3 =	sld [smem:$0x3FFC];
	_ =	sdelay $0x3  }
0x94: {  	_ =	strace s3  }
0x95: {  	s3 =	sld [smem:$0x3FFD];
	_ =	sdelay $0x3  }
0x96: {  	_ =	strace s3  }
0x97: {  	_ =	strace $0x8FFFFFFF  }
0x98: {  	s19 =	sld [smem:$0x3FDB];
	_ =	sdelay $0x1  }
0x99: {  	s4 =	simm.s32 $_scs_section_size  }
0x9a: {  	s5 =	simm.s32 $_size__tile_overlayer_lowered;
	s6 =	simm.s32 $_tile_overlayer_lowered  }
0x9b: {  	s22 =	simm.s32 $0x1BFF;
	s21 =	sshll.u32 s6, $0x1;
	s3 =	sadd.s32 s4, s19  }
0x9c: {  	s7 =	simm.s32 $0x0;
	s20 =	sshll.u32 s5, $0x1;
	s5 =	sadd.s32 s21, s3  }
0x9d: {  	[timem:s7], [sflag:s22] =	dma.local [hbm:s5], s20  }
0x9e: {  	_ =	swait.ge [sflag:s22], s20  }
0x9f: {  	s4 =	ssub.s32 $0x0, s20;
	[sflag:s22] =	ssyncset.done $0x0  }
0xa0: {  	[sflag:s22] =	ssyncadd.s32 s4;
	_ =	sdelay $0x1  }
0xa1: {  	s23 =	simm.s32 $0x1B8B  }
0xa2: {  	_ =	swait.ge [sflag:s23], $0x1  }
0xa3: {  	[sflag:s23] =	ssyncset.done $0x0  }
0xa4: {  	s25 =	simm.s32 $0x1B8E;
	s24 =	sld [smem:$0x3FFE];
	[sflag:s23] =	ssyncadd.s32 $0xFFFFFFFF  }
0xa5: {  	s26 =	simm.s32 $execute0_lowered;
	[smem:$0x3FD2] =	sst s25  }
0xa6: {  	s5 =	sshll.u32 s26, $0x1;
	_ =	strace $0x80000046;
	[dreg:$0x1] =	wrdreg $0xFFFFFFFF  }
0xa7: {  	s28 =	simm.s32 $_size_execute0_lowered;
	s3 =	sadd.s32 s3, s5;
	[dreg:$0x0] =	wrdreg $0x0  }
0xa8: {  	s5 =	sshll.u32 s28, $0x1;
	[dreg:$0x2] =	wrdreg s3  }
0xa9: {  	[dreg:$0x3] =	wrdreg s5  }
0xaa: {  	[dreg:$0x4] =	wrdreg $0xC0  }
0xab: {  	_ =	task [dreg:s7], $0x5FFFF  }
0xac: {  	[dreg:$0x1] =	wrdreg $0xFFFFFFFF  }
0xad: {  	[dreg:$0x0] =	wrdreg $0x60  }
0xae: {  	[dreg:$0x2] =	wrdreg s2  }
0xaf: {  	[dreg:$0x3] =	wrdreg s24  }
0xb0: {  	[dreg:$0x4] =	wrdreg $0x121C00  }
0xb1: {  	[dreg:$0x5] =	wrdreg $0x9  }
0xb2: {  	_ =	task.clear_ibuf [dreg:s7], $0x6FFFF;
	_ =	strace $0x90000046  }
0xb3: {  	s29 =	simm.s32 $0x9;
	_ =	strace $0x80000048  }
0xb4: {  	_ =	swait.ge [sflag:s29], $0x1  }
0xb5: {  	[sflag:s29] =	ssyncadd.s32 $0xFFFFFFFF  }
0xb6: {  	_ =	strace $0x90000048  }
0xb7: {  	_ =	sfence  }
0xb8: {  	s30 =	sld [smem:$0x0];
	_ =	sdelay $0x2  }
0xb9: {  	s31 =	sshll.u32 s1, $0xD;
	s1 =	sshrl.u32 s1, $0x2  }
0xba: {  	s3 =	sand.u32 $0x4000, s31;
	s1 =	sadd.s32 s1, s30  }
0xbb: {  	s0 =	sor.u32 s3, s0;
	s1 =	sshll.u32 s1, $0x11  }
0xbc: {  	s0 =	sor.u32 s1, s0  }
0xbd: {  	s0 =	sadd.s32 $0x8F2B, s0  }
0xbe: {  	[sflag:s0] =	ssyncadd.remote.s32 $0x1  }
0xbf: {  	_ =	sfence.sel $0xFFFF  }
0xc0: {  	[dreg:$0x0] =	wrdreg $0xFFFFFFFF;
	(pc) =	sbr.abs _section_cstart, $3  }
0xc1: {  	[dreg:$0x1] =	wrdreg $0xFFFFFFFF  }
0xc2: {  	_ =	task.clear_ibuf [dreg:s7], $0x2FFFF;
	_ =	strace $0x9FFFFFFF  }
0xc3: {  	(tm) =	ssettm $0x7FFFFFFF  }
tec
execute0_lowered:
.L_overlay_start_1:
0x0: {  	(tag) =	ssettag $0x1  }
0x1: {  	s1 =	rddreg [dreg:$0x0]  }
0x2: {  	s0 =	rddreg [dreg:$0x1]  }
0x3: {  	s2 =	rddreg [dreg:$0x2];
	s3 =	simm.s32 $0x0;
	s6 =	srdreg.scid  }
0x4: {  	s4 =	stileid.u32;
	s18 =	simm.s32 $0x3;
	s19 =	simm.s32 $0x1  }
0x5: {  	s20 =	simm.s32 $0x80;
	s21 =	simm.s32 $0x2800;
	s22 =	simm.s32 $0x4C00  }
0x6: {  	s23 =	simm.s32 $0x4;
	s24 =	simm.s32 $0x2;
	s9 =	smul.u32 $0x2C700, s4  }
0x7: {  	[smem:$0x7FF] =	sst s3;
	s5 =	sadd.s32 $0xE00, s0;
	s7 =	smul.u32 $0xA0, s4  }
0x8: {  	s11 =	sand.u32 $0x1, s6;
	s6 =	sadd.s32 $0x16E00, s0;
	s12 =	smul.u32 $0x5000, s4  }
0x9: {  	s0 =	sadd.s32 $0x2A800, s0;
	p0 =	seq.s32 s4, $0xF;
	s13 =	smul.u32 $0xB1C0, s4  }
0xa: {  	_ =	strace $0x80000047;
	s8 =	ssub.s32 $0x2, s11;
	s14 =	smul.u32 $0xAFC80, s11  }
0xb: {  	p1 =	seq.s32 s11, $0x1;
	s10 =	sshrl.u32 s8, $0x1;
	s30 =	sshrl.u32 s9, $0x2  }
0xc: {  	s9 =	sadd.s32 $0xA6A40, s2;
	s31 =	sshrl.u32 s12, $0x3;
	s16 =	ssub.s32 s8, s10  }
.Ltmp0:
0xd: {  	s8 =	sadd.s32 s30, s2;
	s10 =	simm.s32 $0x5;
	(pc) =	sbr.rel .LBB2_1-.Ltmp0, $4  }
0xe: {  	s11 =	sadd.s32 s6, s31;
	s15 =	sadd.s32 s13, s14;
	s14 =	sshrl.u32 s14, $0x3  }
0xf: {  	s13 =	sadd.s32 s13, s2;
	[dreg:$0x4] =	wrdreg s8;
	s10 =	simm.s32 @!p0 $0x8  }
0x10: {  	s12 =	sadd.s32 $0x9C40, s11;
	s15 =	sshrl.u32 s15, $0x3;
	s17 =	sadd.s32 s0, s14  }
0x11: {  	v0 =	vimm.f32 $0.0e+00;
	s16 =	smax.u32 s16, $0x1;
	s14 =	sadd.s32 s0, s15;
	s15 =	sadd.s32 $0x14D48, s17  }
.LBB2_10:
0x12: {  	[bflag:$0x0] =	sbarrier.arrive $0xFFFF;
	s0 =	simm.s32 @p0 $0x7000;
	s4 =	simm.s32 @p0 $0x4  }
0x13: {  	[tilespmem:s0], [sflag:$0x4] =	stream.linear.gather @p0 [spmem:s9], $0x9240, $0x38;
	[tilespmem:$0x1D188] =	vst v63  }
0x14: {  	_ =	swait.ge @p0 [sflag:s4], $0x9240  }
0x15: {  	[sflag:s4] =	ssyncset.done @p0 $0x0  }
0x16: {  	s8 =	simm.s32 @p0 $0x0;
	[sflag:s4] =	ssyncadd.s32 @p0 $0xFFFF6DC0  }
0x17: {  	[hbm4b:s15+s8] =	stream.linear.scatter @p0 [tilespmem:s0], [sflag:$0x4], $0x9240, $0x38;
	[tilespmem:$0x1D188] =	vst v63  }
0x18: {  	_ =	swait.ge @p0 [sflag:s4], $0x9240  }
0x19: {  	[sflag:s4] =	ssyncset.done @p0 $0x0  }
0x1a: {  	s0 =	simm.s32 @!p0 $0x7000;
	[sflag:s4] =	ssyncadd.s32 @p0 $0xFFFF6DC0;
	s4 =	simm.s32 @!p0 $0x4  }
0x1b: {  	[tilespmem:s0], [sflag:$0x4] =	stream.linear.gather @!p0 [spmem:s13], $0xB1C0, $0x38;
	[tilespmem:$0x1D188] =	vst v63  }
0x1c: {  	s3 =	sadd.s32 $0x1, s3;
	_ =	swait.ge @!p0 [sflag:s4], $0xB1C0  }
0x1d: {  	p2 =	sne.s32 s3, s16;
	[sflag:s4] =	ssyncset.done @!p0 $0x0  }
.Ltmp1:
0x1e: {  	s8 =	simm.s32 @!p0 $0x0;
	[sflag:s4] =	ssyncadd.s32 @!p0 $0xFFFF4E40;
	(pc) =	sbr.rel @!p2 .LBB2_11-.Ltmp1, $4  }
0x1f: {  	[hbm4b:s14+s8] =	stream.linear.scatter @!p0 [tilespmem:s0], [sflag:$0x4], $0xB1C0, $0x38;
	[tilespmem:$0x1D188] =	vst v63  }
0x20: {  	_ =	swait.ge @!p0 [sflag:s4], $0xB1C0  }
0x21: {  	[sflag:s4] =	ssyncset.done @!p0 $0x0  }
0x22: {  	[sflag:s4] =	ssyncadd.s32 @!p0 $0xFFFF4E40  }
.LBB2_1:
0x23: {  	s25 =	simm.s32 $0x0  }
0x24: {  	s26 =	simm.s32 $0x120;
	[tilespmem:s25+$0x7020] =	vst v0  }
.LBB2_2:
0x25: {  	p2 =	sne.s32 s26, $0x2C5E0;
	[tilespmem:s25+$0x7010] =	vst v0;
	s0 =	smov.u32 s26;
	s26 =	sadd.s32 $0x120, s26  }
.Ltmp2:
0x26: {  	[tilespmem:s25+$0x7030] =	vst v0;
	(pc) =	sbr.rel @p2 .LBB2_2-.Ltmp2, $4  }
0x27: {  	[tilespmem:s25+$0x7038] =	vst v0  }
0x28: {  	[tilespmem:s25+$0x7000] =	vst v0  }
0x29: {  	s25 =	sshra.s32 s0, $0x2  }
0x2a: {  	[tilespmem:s25+$0x7020] =	vst v0  }
0x2b: {  	[tilespmem:s25+$0x7010] =	vst v0  }
0x2c: {  	[tilespmem:s25+$0x7030] =	vst v0  }
0x2d: {  	[tilespmem:s25+$0x7000] =	vst v0  }
0x2e: {  	s0 =	simm.s32 @p0 $0x7000;
	[tilespmem:s25+$0x7038] =	vst v0  }
0x2f: {  	[spmem:s9] =	stream.linear.scatter @p0 [tilespmem:s0], [sflag:$0x4], $0x9240, $0x38;
	[tilespmem:$0x1D188] =	vst v63  }
0x30: {  	s0 =	simm.s32 @p0 $0x4  }
0x31: {  	_ =	swait.ge @p0 [sflag:s0], $0x9240  }
0x32: {  	[sflag:s0] =	ssyncset.done @p0 $0x0  }
0x33: {  	s4 =	rddreg [dreg:$0x4];
	[sflag:s0] =	ssyncadd.s32 @p0 $0xFFFF6DC0;
	s0 =	simm.s32 @!p0 $0x7000  }
0x34: {  	[spmem:s4] =	stream.linear.scatter @!p0 [tilespmem:s0], [sflag:$0x4], $0xB1C0, $0x38;
	[tilespmem:$0x1D188] =	vst v63  }
0x35: {  	s0 =	simm.s32 @!p0 $0x4  }
0x36: {  	_ =	swait.ge @!p0 [sflag:s0], $0xB1C0  }
0x37: {  	[sflag:s0] =	ssyncset.done @!p0 $0x0  }
0x38: {  	[sflag:s0] =	ssyncadd.s32 @!p0 $0xFFFF4E40  }
0x39: {  	s25 =	simm.s32 $0x0;
	[bflag:$0x0] =	sbarrier.arrive $0xFFFF  }
0x3a: {  	[tilespmem:s25], [sflag:$0x3] =	stream.linear.gather [hbm4b:s11+s25], $0xA00, $0x38;
	[tilespmem:$0x1D188] =	vst v63  }
0x3b: {  	s31 =	simm.s32 $0x1400  }
0x3c: {  	[tilespmem:s31], [sflag:$0x3] =	stream.linear.gather [hbm4b:s12+s25], $0xA00, $0x38;
	[tilespmem:$0x1D188] =	vst v63  }
0x3d: {  	_ =	swait.ge [sflag:s18], $0xA00  }
.Ltmp3:
0x3e: {  	[sflag:s18] =	ssyncset.done $0x0;
	(pc) =	sbr.rel @!p1 .LBB2_4-.Ltmp3, $4  }
0x3f: {  	[sflag:s18] =	ssyncadd.s32 $0xFFFFF600  }
0x40: {  	_ =	swait.ge [sflag:s18], $0xA00  }
0x41: {  	[sflag:s18] =	ssyncset.done $0x0  }
0x42: {  	p2 =	por $0x0, $0x0;
	[sflag:s18] =	ssyncadd.s32 $0xFFFFF600  }
.LBB2_7:
0x43: {  	s0 =	sand.u32 $0x1, s25;
	s25 =	sadd.s32 $0x1, s25  }
0x44: {  	p3 =	sge.u32 s25, s10  }
0x45: {  	s4 =	smul.u32 @!p3 $0x14, s25;
	_ =	sdelay $0x1  }
0x46: {  	s17 =	simm.s32 $0x1;
	s8 =	sxor.u32 @!p3 $0x1, s0;
	s4 =	sadd.s32 @!p3 s7, s4  }
0x47: {  	s17 =	simm.s32 @!p2 $0x0;
	s8 =	smul.u32 @!p3 $0xA00, s8;
	s4 =	sshll.u32 @!p3 s4, $0x4  }
0x48: {  	s28 =	simm.s32 @!p3 $0x0;
	s26 =	sadd.s32 @!p3 s6, s4;
	s4 =	sand.u32 @!p3 $0x1FFFFFF0, s4  }
0x49: {  	[tilespmem:s8], [sflag:$0x3] =	stream.linear.gather @!p3 [hbm4b:s26+s28], $0xA00, $0x38;
	[tilespmem:$0x1D188] =	vst v63  }
0x4a: {  	s17 =	smul.u32 $0x2800, s17;
	s4 =	sadd.s32 @!p3 s6, s4  }
0x4b: {  	s8 =	sadd.s32 @!p3 $0x1400, s8;
	s26 =	smul.u32 $0x2800, s0;
	s4 =	sadd.s32 @!p3 $0x9C40, s4  }
0x4c: {  	[tilespmem:s8], [sflag:$0x3] =	stream.linear.gather @!p3 [hbm4b:s4+s28], $0xA00, $0x38;
	[tilespmem:$0x1D188] =	vst v63  }
0x4d: {  	s28 =	sshrl.u32 s17, $0x2  }
0x4e: {  	s17 =	sshrl.u32 s26, $0x2;
	s4 =	sadd.s32 $0x0, s28  }
0x4f: {  	[tilespmem:s21], [sflag:$0x1] =	stream.indirect.gather [hbm4b:s5+s20], $0x48, s17, s20, $0xb8;
	[tilespmem:$0x1D188] =	vst v63  }
0x50: {  	s26 =	sadd.s32 $0x80, s4  }
0x51: {  	[tilespmem:s22], [sflag:$0x2] =	stream.indirect.gather [hbm4b:s5+s20], $0x48, s26, s20, $0xb8;
	[tilespmem:$0x1D188] =	vst v63  }
0x52: {  	_ =	swait.ge [sflag:s19], $0x2400  }
0x53: {  	s26 =	sadd.s32 $0x1400, s28;
	[sflag:s19] =	ssyncset.done $0x0  }
0x54: {  	s17 =	sadd.s32 $0x0, s26;
	[sflag:s19] =	ssyncadd.s32 $0xFFFFDC00  }
0x55: {  	[spmem:s2] =	stream.indirect.scatter.add.f32 [tilespmem:s21], [sflag:$0x4], $0x48, s17, s20, $0xb8;
	[tilespmem:$0x1D188] =	vst v63  }
0x56: {  	_ =	swait.ge [sflag:s23], $0x2400  }
0x57: {  	[sflag:s23] =	ssyncset.done $0x0  }
0x58: {  	s4 =	sadd.s32 $0x100, s4;
	[sflag:s23] =	ssyncadd.s32 $0xFFFFDC00  }
0x59: {  	[tilespmem:s21], [sflag:$0x1] =	stream.indirect.gather [hbm4b:s5+s20], $0x48, s4, s20, $0xb8;
	[tilespmem:$0x1D188] =	vst v63  }
0x5a: {  	_ =	swait.ge [sflag:s24], $0x2400  }
0x5b: {  	[sflag:s24] =	ssyncset.done $0x0  }
0x5c: {  	s17 =	sadd.s32 $0x80, s17;
	[sflag:s24] =	ssyncadd.s32 $0xFFFFDC00  }
0x5d: {  	[spmem:s2] =	stream.indirect.scatter.add.f32 [tilespmem:s22], [sflag:$0x4], $0x48, s17, s20, $0xb8;
	[tilespmem:$0x1D188] =	vst v63  }
0x5e: {  	s31 =	simm.s32 $0x100;
	s29 =	smul.u32 $0x14, s0;
	_ =	swait.ge [sflag:s23], $0x2400  }
0x5f: {  	s0 =	simm.s32 $0x800;
	s30 =	sadd.s32 $0x100, s28;
	[sflag:s23] =	ssyncset.done $0x0  }
.LBB2_8:
0x60: {  	s4 =	sadd.s32 $0x80, s30  }
0x61: {  	[sflag:s23] =	ssyncadd.s32 $0xFFFFDC00;
	s8 =	smov.u32 s0;
	s17 =	sadd.s32 $0x400, s0  }
0x62: {  	[tilespmem:s22], [sflag:$0x2] =	stream.indirect.gather [hbm4b:s5+s20], $0x48, s4, s20, $0xb8;
	[tilespmem:$0x1D188] =	vst v63  }
0x63: {  	p4 =	sne.s32 s0, $0x2000;
	_ =	swait.ge [sflag:s19], $0x2400  }
0x64: {  	[sflag:s19] =	ssyncset.done $0x0  }
0x65: {  	s0 =	sadd.s32 s31, s26;
	[sflag:s19] =	ssyncadd.s32 $0xFFFFDC00  }
0x66: {  	[spmem:s2] =	stream.indirect.scatter.add.f32 [tilespmem:s21], [sflag:$0x4], $0x48, s0, s20, $0xb8;
	[tilespmem:$0x1D188] =	vst v63  }
0x67: {  	_ =	swait.ge [sflag:s23], $0x2400  }
0x68: {  	[sflag:s23] =	ssyncset.done $0x0  }
0x69: {  	s4 =	sadd.s32 $0x100, s30;
	[sflag:s23] =	ssyncadd.s32 $0xFFFFDC00  }
0x6a: {  	[tilespmem:s21], [sflag:$0x1] =	stream.indirect.gather [hbm4b:s5+s20], $0x48, s4, s20, $0xb8;
	[tilespmem:$0x1D188] =	vst v63  }
0x6b: {  	_ =	swait.ge [sflag:s24], $0x2400  }
.Ltmp4:
0x6c: {  	[sflag:s24] =	ssyncset.done $0x0;
	(pc) =	sbr.rel @p4 .LBB2_8-.Ltmp4, $4  }
0x6d: {  	s0 =	sadd.s32 $0x80, s0;
	[sflag:s24] =	ssyncadd.s32 $0xFFFFDC00  }
0x6e: {  	[spmem:s2] =	stream.indirect.scatter.add.f32 [tilespmem:s22], [sflag:$0x4], $0x48, s0, s20, $0xb8;
	[tilespmem:$0x1D188] =	vst v63  }
0x6f: {  	s31 =	sshra.s32 s8, $0x2;
	_ =	swait.ge [sflag:s23], $0x2400  }
0x70: {  	s30 =	sadd.s32 s31, s28;
	s0 =	smov.u32 s17;
	[sflag:s23] =	ssyncset.done $0x0  }
0x71: {  	s0 =	sadd.s32 $0x80, s30;
	[sflag:s23] =	ssyncadd.s32 $0xFFFFDC00  }
0x72: {  	[tilespmem:s22], [sflag:$0x2] =	stream.indirect.gather [hbm4b:s5+s20], $0x48, s0, s20, $0xb8;
	[tilespmem:$0x1D188] =	vst v63  }
0x73: {  	_ =	swait.ge [sflag:s19], $0x2400  }
0x74: {  	[sflag:s19] =	ssyncset.done $0x0  }
0x75: {  	s28 =	sadd.s32 s31, s26;
	[sflag:s19] =	ssyncadd.s32 $0xFFFFDC00  }
0x76: {  	[spmem:s2] =	stream.indirect.scatter.add.f32 [tilespmem:s21], [sflag:$0x4], $0x48, s28, s20, $0xb8;
	[tilespmem:$0x1D188] =	vst v63  }
0x77: {  	_ =	swait.ge [sflag:s23], $0x2400  }
0x78: {  	[sflag:s23] =	ssyncset.done $0x0  }
0x79: {  	s4 =	sadd.s32 $0x100, s30;
	[sflag:s23] =	ssyncadd.s32 $0xFFFFDC00  }
0x7a: {  	[tilespmem:s21], [sflag:$0x1] =	stream.indirect.gather [hbm4b:s5+s20], $0x48, s4, s20, $0xb8;
	[tilespmem:$0x1D188] =	vst v63  }
0x7b: {  	_ =	swait.ge [sflag:s24], $0x2400  }
0x7c: {  	[sflag:s24] =	ssyncset.done $0x0  }
0x7d: {  	s0 =	sadd.s32 $0x80, s28;
	[sflag:s24] =	ssyncadd.s32 $0xFFFFDC00  }
0x7e: {  	[spmem:s2] =	stream.indirect.scatter.add.f32 [tilespmem:s22], [sflag:$0x4], $0x48, s0, s20, $0xb8;
	[tilespmem:$0x1D188] =	vst v63  }
0x7f: {  	_ =	swait.ge [sflag:s23], $0x2400  }
0x80: {  	s29 =	sshll.u32 s29, $0x7;
	[sflag:s23] =	ssyncset.done $0x0  }
0x81: {  	s30 =	sadd.s32 $0x980, s29;
	[sflag:s23] =	ssyncadd.s32 $0xFFFFDC00  }
0x82: {  	[tilespmem:s22], [sflag:$0x2] =	stream.indirect.gather [hbm4b:s5+s20], $0x48, s30, s20, $0xb8;
	[tilespmem:$0x1D188] =	vst v63  }
0x83: {  	_ =	swait.ge [sflag:s19], $0x2400  }
0x84: {  	[sflag:s19] =	ssyncset.done $0x0  }
0x85: {  	s31 =	sadd.s32 $0x1D00, s29;
	[sflag:s19] =	ssyncadd.s32 $0xFFFFDC00  }
0x86: {  	[spmem:s2] =	stream.indirect.scatter.add.f32 [tilespmem:s21], [sflag:$0x4], $0x48, s31, s20, $0xb8;
	[tilespmem:$0x1D188] =	vst v63  }
0x87: {  	_ =	swait.ge [sflag:s23], $0x2400  }
0x88: {  	[sflag:s23] =	ssyncset.done $0x0  }
0x89: {  	[sflag:s23] =	ssyncadd.s32 $0xFFFFDC00  }
0x8a: {  	_ =	swait.ge [sflag:s24], $0x2400  }
0x8b: {  	[sflag:s24] =	ssyncset.done $0x0  }
0x8c: {  	s0 =	sadd.s32 $0x1D80, s29;
	[sflag:s24] =	ssyncadd.s32 $0xFFFFDC00  }
0x8d: {  	[spmem:s2] =	stream.indirect.scatter.add.f32 [tilespmem:s22], [sflag:$0x4], $0x48, s0, s20, $0xb8;
	[tilespmem:$0x1D188] =	vst v63  }
0x8e: {  	_ =	swait.ge [sflag:s23], $0x2400  }
0x8f: {  	[sflag:s23] =	ssyncset.done $0x0  }
0x90: {  	s0 =	simm.s32 @!p3 $0x3;
	[sflag:s23] =	ssyncadd.s32 $0xFFFFDC00  }
0x91: {  	p4 =	sne.s32 s25, s10;
	_ =	swait.ge @!p3 [sflag:s0], $0xA00  }
.Ltmp5:
0x92: {  	[sflag:s0] =	ssyncset.done @!p3 $0x0;
	(pc) =	sbr.rel @p4 .LBB2_7-.Ltmp5, $4  }
.Ltmp6:
0x93: {  	[sflag:s0] =	ssyncadd.s32 @!p3 $0xFFFFF600;
	(pc) =	sbr.rel @!p4 .LBB2_10-.Ltmp6, $4  }
0x94: {  	_ =	swait.ge @!p3 [sflag:s0], $0xA00  }
0x95: {  	[sflag:s0] =	ssyncset.done @!p3 $0x0  }
0x96: {  	p2 =	por !p2, !p2;
	[sflag:s0] =	ssyncadd.s32 @!p3 $0xFFFFF600  }
0x97: {  	_ = 	snop  }
.LBB2_4:
0x98: {  	s0 =	sand.u32 $0x1, s25;
	s25 =	sadd.s32 $0x1, s25  }
0x99: {  	p3 =	sge.u32 s25, s10  }
0x9a: {  	s26 =	smul.u32 @!p3 $0x14, s25;
	_ =	sdelay $0x1  }
0x9b: {  	s29 =	simm.s32 $0x1;
	s28 =	sxor.u32 @!p3 $0x1, s0;
	s26 =	sadd.s32 @!p3 s7, s26  }
0x9c: {  	s29 =	simm.s32 @!p2 $0x0;
	s28 =	smul.u32 @!p3 $0xA00, s28;
	s26 =	sshll.u32 @!p3 s26, $0x4  }
0x9d: {  	s31 =	simm.s32 @!p3 $0x0;
	s30 =	sadd.s32 @!p3 s6, s26;
	s26 =	sand.u32 @!p3 $0x1FFFFFF0, s26  }
0x9e: {  	[tilespmem:s28], [sflag:$0x3] =	stream.linear.gather @!p3 [hbm4b:s30+s31], $0xA00, $0x38;
	[tilespmem:$0x1D188] =	vst v63  }
0x9f: {  	s29 =	smul.u32 $0x2800, s29;
	s26 =	sadd.s32 @!p3 s6, s26  }
0xa0: {  	s28 =	sadd.s32 @!p3 $0x1400, s28;
	s30 =	smul.u32 $0x2800, s0;
	s26 =	sadd.s32 @!p3 $0x9C40, s26  }
0xa1: {  	[tilespmem:s28], [sflag:$0x3] =	stream.linear.gather @!p3 [hbm4b:s26+s31], $0xA00, $0x38;
	[tilespmem:$0x1D188] =	vst v63  }
0xa2: {  	s28 =	sshrl.u32 s29, $0x2  }
0xa3: {  	s8 =	sshrl.u32 s30, $0x2;
	s29 =	sadd.s32 $0x0, s28  }
0xa4: {  	[tilespmem:s21], [sflag:$0x1] =	stream.indirect.gather [hbm4b:s1+s20], $0x48, s8, s20, $0xb8;
	[tilespmem:$0x1D188] =	vst v63  }
0xa5: {  	s17 =	sadd.s32 $0x80, s29  }
0xa6: {  	[tilespmem:s22], [sflag:$0x2] =	stream.indirect.gather [hbm4b:s1+s20], $0x48, s17, s20, $0xb8;
	[tilespmem:$0x1D188] =	vst v63  }
0xa7: {  	_ =	swait.ge [sflag:s19], $0x2400  }
0xa8: {  	s26 =	sadd.s32 $0x1400, s28;
	[sflag:s19] =	ssyncset.done $0x0  }
0xa9: {  	s30 =	sadd.s32 $0x0, s26;
	[sflag:s19] =	ssyncadd.s32 $0xFFFFDC00  }
0xaa: {  	[spmem:s2] =	stream.indirect.scatter.add.f32 [tilespmem:s21], [sflag:$0x4], $0x48, s30, s20, $0xb8;
	[tilespmem:$0x1D188] =	vst v63  }
0xab: {  	_ =	swait.ge [sflag:s23], $0x2400  }
0xac: {  	[sflag:s23] =	ssyncset.done $0x0  }
0xad: {  	s29 =	sadd.s32 $0x100, s29;
	[sflag:s23] =	ssyncadd.s32 $0xFFFFDC00  }
0xae: {  	[tilespmem:s21], [sflag:$0x1] =	stream.indirect.gather [hbm4b:s1+s20], $0x48, s29, s20, $0xb8;
	[tilespmem:$0x1D188] =	vst v63  }
0xaf: {  	_ =	swait.ge [sflag:s24], $0x2400  }
0xb0: {  	[sflag:s24] =	ssyncset.done $0x0  }
0xb1: {  	s29 =	sadd.s32 $0x80, s30;
	[sflag:s24] =	ssyncadd.s32 $0xFFFFDC00  }
0xb2: {  	[spmem:s2] =	stream.indirect.scatter.add.f32 [tilespmem:s22], [sflag:$0x4], $0x48, s29, s20, $0xb8;
	[tilespmem:$0x1D188] =	vst v63  }
0xb3: {  	s31 =	simm.s32 $0x100;
	s30 =	sadd.s32 $0x100, s28;
	_ =	swait.ge [sflag:s23], $0x2400  }
0xb4: {  	s29 =	smul.u32 $0x14, s0;
	s0 =	simm.s32 $0x800;
	[sflag:s23] =	ssyncset.done $0x0  }
.LBB2_5:
0xb5: {  	s4 =	sadd.s32 $0x80, s30  }
0xb6: {  	[sflag:s23] =	ssyncadd.s32 $0xFFFFDC00;
	s17 =	smov.u32 s0;
	s8 =	sadd.s32 $0x400, s0  }
0xb7: {  	[tilespmem:s22], [sflag:$0x2] =	stream.indirect.gather [hbm4b:s1+s20], $0x48, s4, s20, $0xb8;
	[tilespmem:$0x1D188] =	vst v63  }
0xb8: {  	p4 =	sne.s32 s0, $0x2000;
	_ =	swait.ge [sflag:s19], $0x2400  }
0xb9: {  	[sflag:s19] =	ssyncset.done $0x0  }
0xba: {  	s0 =	sadd.s32 s31, s26;
	[sflag:s19] =	ssyncadd.s32 $0xFFFFDC00  }
0xbb: {  	[spmem:s2] =	stream.indirect.scatter.add.f32 [tilespmem:s21], [sflag:$0x4], $0x48, s0, s20, $0xb8;
	[tilespmem:$0x1D188] =	vst v63  }
0xbc: {  	_ =	swait.ge [sflag:s23], $0x2400  }
0xbd: {  	[sflag:s23] =	ssyncset.done $0x0  }
0xbe: {  	s4 =	sadd.s32 $0x100, s30;
	[sflag:s23] =	ssyncadd.s32 $0xFFFFDC00  }
0xbf: {  	[tilespmem:s21], [sflag:$0x1] =	stream.indirect.gather [hbm4b:s1+s20], $0x48, s4, s20, $0xb8;
	[tilespmem:$0x1D188] =	vst v63  }
0xc0: {  	_ =	swait.ge [sflag:s24], $0x2400  }
.Ltmp7:
0xc1: {  	[sflag:s24] =	ssyncset.done $0x0;
	(pc) =	sbr.rel @p4 .LBB2_5-.Ltmp7, $4  }
0xc2: {  	s0 =	sadd.s32 $0x80, s0;
	[sflag:s24] =	ssyncadd.s32 $0xFFFFDC00  }
0xc3: {  	[spmem:s2] =	stream.indirect.scatter.add.f32 [tilespmem:s22], [sflag:$0x4], $0x48, s0, s20, $0xb8;
	[tilespmem:$0x1D188] =	vst v63  }
0xc4: {  	s31 =	sshra.s32 s17, $0x2;
	_ =	swait.ge [sflag:s23], $0x2400  }
0xc5: {  	s30 =	sadd.s32 s31, s28;
	s0 =	smov.u32 s8;
	[sflag:s23] =	ssyncset.done $0x0  }
0xc6: {  	s0 =	sadd.s32 $0x80, s30;
	[sflag:s23] =	ssyncadd.s32 $0xFFFFDC00  }
0xc7: {  	[tilespmem:s22], [sflag:$0x2] =	stream.indirect.gather [hbm4b:s1+s20], $0x48, s0, s20, $0xb8;
	[tilespmem:$0x1D188] =	vst v63  }
0xc8: {  	_ =	swait.ge [sflag:s19], $0x2400  }
0xc9: {  	[sflag:s19] =	ssyncset.done $0x0  }
0xca: {  	s28 =	sadd.s32 s31, s26;
	[sflag:s19] =	ssyncadd.s32 $0xFFFFDC00  }
0xcb: {  	[spmem:s2] =	stream.indirect.scatter.add.f32 [tilespmem:s21], [sflag:$0x4], $0x48, s28, s20, $0xb8;
	[tilespmem:$0x1D188] =	vst v63  }
0xcc: {  	_ =	swait.ge [sflag:s23], $0x2400  }
0xcd: {  	[sflag:s23] =	ssyncset.done $0x0  }
0xce: {  	s4 =	sadd.s32 $0x100, s30;
	[sflag:s23] =	ssyncadd.s32 $0xFFFFDC00  }
0xcf: {  	[tilespmem:s21], [sflag:$0x1] =	stream.indirect.gather [hbm4b:s1+s20], $0x48, s4, s20, $0xb8;
	[tilespmem:$0x1D188] =	vst v63  }
0xd0: {  	_ =	swait.ge [sflag:s24], $0x2400  }
0xd1: {  	[sflag:s24] =	ssyncset.done $0x0  }
0xd2: {  	s0 =	sadd.s32 $0x80, s28;
	[sflag:s24] =	ssyncadd.s32 $0xFFFFDC00  }
0xd3: {  	[spmem:s2] =	stream.indirect.scatter.add.f32 [tilespmem:s22], [sflag:$0x4], $0x48, s0, s20, $0xb8;
	[tilespmem:$0x1D188] =	vst v63  }
0xd4: {  	_ =	swait.ge [sflag:s23], $0x2400  }
0xd5: {  	s29 =	sshll.u32 s29, $0x7;
	[sflag:s23] =	ssyncset.done $0x0  }
0xd6: {  	s30 =	sadd.s32 $0x980, s29;
	[sflag:s23] =	ssyncadd.s32 $0xFFFFDC00  }
0xd7: {  	[tilespmem:s22], [sflag:$0x2] =	stream.indirect.gather [hbm4b:s1+s20], $0x48, s30, s20, $0xb8;
	[tilespmem:$0x1D188] =	vst v63  }
0xd8: {  	_ =	swait.ge [sflag:s19], $0x2400  }
0xd9: {  	[sflag:s19] =	ssyncset.done $0x0  }
0xda: {  	s31 =	sadd.s32 $0x1D00, s29;
	[sflag:s19] =	ssyncadd.s32 $0xFFFFDC00  }
0xdb: {  	[spmem:s2] =	stream.indirect.scatter.add.f32 [tilespmem:s21], [sflag:$0x4], $0x48, s31, s20, $0xb8;
	[tilespmem:$0x1D188] =	vst v63  }
0xdc: {  	_ =	swait.ge [sflag:s23], $0x2400  }
0xdd: {  	[sflag:s23] =	ssyncset.done $0x0  }
0xde: {  	[sflag:s23] =	ssyncadd.s32 $0xFFFFDC00  }
0xdf: {  	_ =	swait.ge [sflag:s24], $0x2400  }
0xe0: {  	[sflag:s24] =	ssyncset.done $0x0  }
0xe1: {  	s0 =	sadd.s32 $0x1D80, s29;
	[sflag:s24] =	ssyncadd.s32 $0xFFFFDC00  }
0xe2: {  	[spmem:s2] =	stream.indirect.scatter.add.f32 [tilespmem:s22], [sflag:$0x4], $0x48, s0, s20, $0xb8;
	[tilespmem:$0x1D188] =	vst v63  }
0xe3: {  	_ =	swait.ge [sflag:s23], $0x2400  }
0xe4: {  	[sflag:s23] =	ssyncset.done $0x0  }
0xe5: {  	s0 =	simm.s32 @!p3 $0x3;
	[sflag:s23] =	ssyncadd.s32 $0xFFFFDC00  }
0xe6: {  	p4 =	seq.s32 s25, s10;
	_ =	swait.ge @!p3 [sflag:s0], $0xA00  }
.Ltmp8:
0xe7: {  	[sflag:s0] =	ssyncset.done @!p3 $0x0;
	(pc) =	sbr.rel @!p4 .LBB2_4-.Ltmp8, $4  }
.Ltmp9:
0xe8: {  	[sflag:s0] =	ssyncadd.s32 @!p3 $0xFFFFF600;
	(pc) =	sbr.rel @p4 .LBB2_10-.Ltmp9, $4  }
0xe9: {  	_ =	swait.ge @!p3 [sflag:s0], $0xA00  }
0xea: {  	[sflag:s0] =	ssyncset.done @!p3 $0x0  }
0xeb: {  	p2 =	por !p2, !p2;
	[sflag:s0] =	ssyncadd.s32 @!p3 $0xFFFFF600  }
0xec: {  	_ = 	snop  }
.LBB2_11:
0xed: {  	_ =	sfence.sel $0x180000  }
0xee: {  	[bflag:$0x0] =	sbarrier.arrive $0xFFFF  }
0xef: {  	_ =	strace $0x90000047  }
0xf0: {  	s0 =	stileid.u32;
	[bflag:$0x2] =	sbarrier.arrive $0xFFFF  }
0xf1: {  	p0 =	sne.s32 s0, $0x0;
	s0 =	rddreg [dreg:$0x3]  }
0xf2: {  	s0 =	sadd.s32 @!p0 $0x100000, s0  }
0xf3: {  	[sflag:s0] =	ssyncadd.tile.s32 @!p0 $0x1;
	_ =	shalt  }
.Lfunc_end2:
_tile_overlayer_lowered:
.L_overlay_start_2:
0xf4: {  	(tag) =	ssettag $0x2  }
0xf5: {  	s0 =	rddreg [dreg:$0x0];
	s2 =	stileid.u32  }
0xf6: {  	s1 =	rddreg [dreg:$0x1];
	p0 =	sne.s32 s2, $0x0  }
0xf7: {  	s3 =	rddreg [dreg:$0x2];
	[bflag:$0x3] =	sbarrier.arrive $0xFFFF;
	s2 =	simm.s32 @!p0 $0x1C04  }
0xf8: {  	[timem:s3], [sflag:s2] =	dma.local @!p0 [hbm:s0], s1  }
0xf9: {  	s0 =	simm.s32 @!p0 $0x4  }
0xfa: {  	_ =	swait.ge @!p0 [sflag:s0], s1  }
0xfb: {  	s1 =	ssub.s32 @!p0 $0x0, s1;
	[sflag:s0] =	ssyncset.done @!p0 $0x0  }
0xfc: {  	[sflag:s0] =	ssyncadd.s32 @!p0 s1  }
0xfd: {  	[bflag:$0x3] =	sbarrier.arrive $0xFFFF  }
0xfe: {  	_ =	shalt  }

</sc_bundles>
